<compile_context>
chip_gen: v7x
topology: tpu7x:2x2x1
jax: 0.10.2.dev20260603
libtpu: 0.0.44.dev20260713+nightly
codegen_flags: <defaults>
</compile_context>

<pallas_src>
import jax
import jax.numpy as jnp
from jax import lax
from jax.experimental import pallas as pl
from jax.experimental.pallas import tpu as pltpu
from jax.experimental.pallas import tpu_sc as plsc

NC = 2
NS = 16
LANES = 16
K = 128


def _sc_mesh():
    return plsc.VectorSubcoreMesh(core_axis_name="c", subcore_axis_name="s")


def _make_sc_agg(H_sp, D, C, with_deg):
    RPT = H_sp // NS
    CH = 1
    C2 = C // CH

    def body(h_hbm, src_hbm, dstc_hbm, z2_hbm, out_hbm, *rest):
        if with_deg:
            deg0_hbm, deg1_hbm = rest[0], rest[1]
            rest = rest[2:]
        src_v, dst_v, rows0, rows1, agg_sh, g0, g1 = rest[:7]
        rest = rest[7:]
        if with_deg:
            ones_v, dz_v, deg_sh = rest
        rows = [rows0, rows1]
        semg = [g0, g1]
        c = lax.axis_index("c")
        s = lax.axis_index("s")

        r0 = s * RPT
        pltpu.sync_copy(z2_hbm.at[pl.ds(r0, RPT)], agg_sh.at[pl.ds(r0, RPT)])

        pltpu.sync_copy(src_hbm.at[c, s], src_v)
        pltpu.sync_copy(dstc_hbm.at[c, s], dst_v)
        if with_deg:
            for i in range(RPT // LANES):
                dz_v[pl.ds(i * LANES, LANES)] = jnp.zeros(
                    (LANES,), jnp.float32)
            pltpu.sync_copy(dz_v, deg_sh.at[pl.ds(r0, RPT)])
            for i in range(K // LANES):
                ones_v[pl.ds(i * LANES, LANES)] = jnp.full(
                    (LANES,), 1.0, jnp.float32)
        plsc.subcore_barrier()

        def gfire(j, bf):
            pltpu.async_copy(h_hbm.at[src_v.at[j]], rows[bf], semg[bf])

        def gwait(bf):
            pltpu.make_async_copy(h_hbm.at[src_v.at[0]], rows[bf],
                                  semg[bf]).wait()

        def scat(j, bf):
            pltpu.sync_copy(rows[bf], agg_sh.at[dst_v.at[j]], add=True)

        def dscat(j):
            pltpu.sync_copy(ones_v, deg_sh.at[dst_v.at[j]], add=True)

        gfire(0, 0)
        gfire(1, 1)

        def step(g, carry):
            j0 = 2 * g
            j1 = j0 + 1
            gwait(0)
            scat(j0, 0)
            gfire((j0 + 2) % C2, 0)
            if with_deg:
                dscat(j0)
            gwait(1)
            scat(j1, 1)
            gfire((j1 + 2) % C2, 1)
            if with_deg:
                dscat(j1)
            return carry

        lax.fori_loop(0, C2 // 2, step, 0)
        gwait(0)
        gwait(1)
        plsc.subcore_barrier()

        pltpu.sync_copy(agg_sh.at[pl.ds(r0, RPT)],
                        out_hbm.at[c, pl.ds(r0, RPT)])
        if with_deg:
            pltpu.sync_copy(deg_sh.at[pl.ds(r0, RPT)], dz_v)

            @pl.when(c == 0)
            def _():
                pltpu.sync_copy(dz_v, deg0_hbm.at[pl.ds(r0, RPT)])

            @pl.when(c == 1)
            def _():
                pltpu.sync_copy(dz_v, deg1_hbm.at[pl.ds(r0, RPT)])

    out_type = jax.ShapeDtypeStruct((NC, H_sp, D), jnp.float32)
    if with_deg:
        out_type = [out_type,
                    jax.ShapeDtypeStruct((H_sp,), jnp.float32),
                    jax.ShapeDtypeStruct((H_sp,), jnp.float32)]
    scratch = [
        pltpu.VMEM((C, K), jnp.int32),
        pltpu.VMEM((C, K), jnp.int32),
        pltpu.VMEM((CH * K, D), jnp.float32),
        pltpu.VMEM((CH * K, D), jnp.float32),
        pltpu.VMEM_SHARED((H_sp, D), jnp.float32),
        pltpu.SemaphoreType.DMA,
        pltpu.SemaphoreType.DMA,
    ]
    if with_deg:
        scratch += [
            pltpu.VMEM((K,), jnp.float32),
            pltpu.VMEM((RPT,), jnp.float32),
            pltpu.VMEM_SHARED((H_sp,), jnp.float32),
        ]

    def call(h, src_r, dstc, z2):
        kern = pl.kernel(
            body,
            out_type=out_type,
            mesh=_sc_mesh(),
            scratch_types=scratch,
        )
        return kern(h, src_r, dstc, z2)

    return call


def _tc_layer(p, degp, h, Wl, bl, Wr, relu):
    N, D = h.shape
    BM = 1000
    H = N // NC
    KB = H // BM
    grid = (N // BM,)

    def body(p_ref, deg_ref, h_ref, wl_ref, bl_ref, wr_ref, o_ref):
        agg = p_ref[0]
        deg = deg_ref[0]
        inv = 1.0 / jnp.maximum(deg, 1.0)
        z = (jnp.dot(agg, wl_ref[...], preferred_element_type=jnp.float32)
             * inv
             + bl_ref[...]
             + jnp.dot(h_ref[...], wr_ref[...],
                       preferred_element_type=jnp.float32))
        if relu:
            z = jnp.maximum(z, 0.0)
        o_ref[...] = z

    return pl.pallas_call(
        body,
        grid=grid,
        in_specs=[
            pl.BlockSpec((1, BM, D), lambda i: (i // KB, i % KB, 0)),
            pl.BlockSpec((1, BM, 1), lambda i: (i // KB, i % KB, 0)),
            pl.BlockSpec((BM, D), lambda i: (i, 0)),
            pl.BlockSpec((D, D), lambda i: (0, 0)),
            pl.BlockSpec((1, D), lambda i: (0, 0)),
            pl.BlockSpec((D, D), lambda i: (0, 0)),
        ],
        out_specs=pl.BlockSpec((BM, D), lambda i: (i, 0)),
        out_shape=jax.ShapeDtypeStruct((N, D), jnp.float32),
    )(p, degp, h, Wl, bl.reshape(1, D), Wr)


def kernel(x, edge_index, Wl0, bl0, Wr0, Wl1, bl1, Wr1, Wl2, bl2, Wr2):
    N, D = x.shape
    E = edge_index.shape[1]
    H = N // NC

    per_tile = -(-E // NS)
    C = -(-per_tile // K)
    C = -(-C // 8) * 8
    E_pad = NS * C * K
    JW = 112
    H_sp = -(-(H + NS * JW) // 256) * 256

    src = edge_index[0]
    dst = edge_index[1]
    pad = E_pad - E
    src_r = jnp.concatenate(
        [src, jnp.zeros((pad,), jnp.int32)]).reshape(NS, C, K)
    src_2 = jnp.stack([src_r, jnp.roll(src_r, C // 2, axis=1)])
    dst_p = jnp.concatenate([dst, jnp.full((pad,), N, jnp.int32)])
    pos = jnp.arange(E_pad, dtype=jnp.int32)
    junk = H + (pos // (C * K)) * JW + (pos & (K - 1)) % JW
    halves = []
    for c in range(NC):
        lo = c * H
        d = dst_p - lo
        half = jnp.where((d >= 0) & (d < H), d, junk).reshape(NS, C, K)
        if c == 1:
            half = jnp.roll(half, C // 2, axis=1)
        halves.append(half)
    dstc = jnp.stack(halves)
    z2 = jnp.zeros((H_sp, D), jnp.float32)

    sc_agg0 = _make_sc_agg(H_sp, D, C, with_deg=True)
    sc_agg = _make_sc_agg(H_sp, D, C, with_deg=False)

    p0, deg0, deg1 = sc_agg0(x, src_2, dstc, z2)
    degp = jnp.stack([deg0[:H], deg1[:H]]).reshape(NC, H, 1)

    h = _tc_layer(p0[:, :H, :], degp, x, Wl0, bl0, Wr0, True)
    for Wl, bl, Wr, relu in [(Wl1, bl1, Wr1, True), (Wl2, bl2, Wr2, False)]:
        p = sc_agg(h, src_2, dstc, z2)[:, :H, :]
        h = _tc_layer(p, degp, h, Wl, bl, Wr, relu)
    return h

# --- scband reference (transcript-rebuilt; emitter-appended) ---
"""Pipeline reference for scband-sagenet-10797547782307 (READ-ONLY COPY).

The authoritative reference and input builder live on the scoring server;
editing this copy changes nothing except your own understanding.
"""

import jax, jax.numpy as jnp
import numpy as np

N = 10000
E = 320000
D = 128


def setup_inputs(seed: int = 0) -> dict:
    key = jax.random.key(seed)
    ks = jax.random.split(key, 16)
    x = jax.random.normal(ks[0], (N, D), dtype=jnp.float32)
    edge_index = jax.random.randint(ks[1], (2, E), 0, N, dtype=jnp.int32)
    scale = 1.0 / np.sqrt(D)
    params = {}
    for i in range(3):
        params[f"Wl{i}"] = jax.random.normal(ks[2 + 3 * i], (D, D), dtype=jnp.float32) * scale
        params[f"bl{i}"] = jnp.zeros((D,), dtype=jnp.float32)
        params[f"Wr{i}"] = jax.random.normal(ks[3 + 3 * i], (D, D), dtype=jnp.float32) * scale
    return {"x": x, "edge_index": edge_index, **params}


def _sage_conv(h, edge_index, Wl, bl, Wr):
    src = edge_index[0]
    dst = edge_index[1]
    msgs = jnp.take(h, src, axis=0)
    agg = jax.ops.segment_sum(msgs, dst, num_segments=N)
    deg = jax.ops.segment_sum(jnp.ones((E,), dtype=h.dtype), dst, num_segments=N)
    agg = agg / jnp.clip(deg, 1.0, None)[:, None]
    return agg @ Wl + bl + h @ Wr


def reference(x, edge_index, Wl0, bl0, Wr0, Wl1, bl1, Wr1, Wl2, bl2, Wr2):
    # layer 0 + relu (dropout p=0.0 is identity)
    h = jax.nn.relu(_sage_conv(x, edge_index, Wl0, bl0, Wr0))
    # layer 1 + relu
    h = jax.nn.relu(_sage_conv(h, edge_index, Wl1, bl1, Wr1))
    # final layer, no activation
    out = _sage_conv(h, edge_index, Wl2, bl2, Wr2)
    return out

if __name__ == "__main__":
    import jax
    _d = setup_inputs()
    print(jax.jit(kernel)(*tuple(_d.values())))

</pallas_src>

<mosaic_0001>
#map = affine_map<(d0, d1) -> (0, 0)>
#map1 = affine_map<(d0, d1) -> (0, 0, 0, 0)>
#map2 = affine_map<(d0, d1) -> (0, 0, 0)>
module attributes {stable_mosaic.version = 14 : i64} {
  func.func @body(%arg0: i32, %arg1: i32, %arg2: memref<10000x128xf32, #tpu.memory_space<hbm>>, %arg3: memref<2x16x160x128xi32, #tpu.memory_space<hbm>>, %arg4: memref<2x16x160x128xi32, #tpu.memory_space<hbm>>, %arg5: memref<6912x128xf32, #tpu.memory_space<hbm>>, %arg6: memref<2x6912x128xf32, #tpu.memory_space<hbm>>, %arg7: memref<160x128xi32, #tpu.memory_space<vmem>>, %arg8: memref<160x128xi32, #tpu.memory_space<vmem>>, %arg9: memref<128x128xf32, #tpu.memory_space<vmem>>, %arg10: memref<128x128xf32, #tpu.memory_space<vmem>>, %arg11: memref<6912x128xf32, #tpu.memory_space<vmem_shared>>, %arg12: memref<!tpu.dma_semaphore, #tpu.memory_space<semaphore_mem>>, %arg13: memref<!tpu.dma_semaphore, #tpu.memory_space<semaphore_mem>>) attributes {dimension_semantics = [#tpu.dimension_semantics<core_parallel>, #tpu.dimension_semantics<subcore_parallel>], iteration_bounds = array<i64: 2, 16>, scalar_prefetch = 0 : i64, scratch_operands = 7 : i64, tpu.core_type = #tpu.core_type<sc_vector_subcore>, window_params = [{transform_indices = #map}, {transform_indices = #map1}, {transform_indices = #map1}, {transform_indices = #map}, {transform_indices = #map2}]} {
    %mul3A = arith.constant 432 : i32
    %mul3A_0 = arith.muli %arg1, %mul3A : i32
    "tpu.region"() ({
      %run_scoped3A = tpu.sem_alloc : memref<!tpu.dma_semaphore, #tpu.memory_space<semaphore_mem>>
      %dma_start3A_33 = arith.constant 0 : i32
      %dma_start3A_34 = tpu.memref_slice %arg11[%mul3A_0, %dma_start3A_33] : memref<6912x128xf32, #tpu.memory_space<vmem_shared>> -> memref<432x128xf32, #tpu.memory_space<vmem_shared>>
      %dma_start3A_35 = arith.constant 0 : i32
      %dma_start3A_36 = tpu.memref_slice %arg5[%mul3A_0, %dma_start3A_35] : memref<6912x128xf32, #tpu.memory_space<hbm>> -> memref<432x128xf32, #tpu.memory_space<hbm>>
      tpu.enqueue_dma source(%dma_start3A_36 : memref<432x128xf32, #tpu.memory_space<hbm>>) target(%dma_start3A_34 : memref<432x128xf32, #tpu.memory_space<vmem_shared>>) target_semaphore(%run_scoped3A : memref<!tpu.dma_semaphore, #tpu.memory_space<semaphore_mem>>)
      %dma_wait3A_37 = arith.constant 0 : i32
      %dma_wait3A_38 = tpu.memref_slice %arg11[%mul3A_0, %dma_wait3A_37] : memref<6912x128xf32, #tpu.memory_space<vmem_shared>> -> memref<432x128xf32, #tpu.memory_space<vmem_shared>>
      %dma_wait3A_39 = arith.constant 0 : i32
      %dma_wait3A_40 = tpu.memref_slice %arg5[%mul3A_0, %dma_wait3A_39] : memref<6912x128xf32, #tpu.memory_space<hbm>> -> memref<432x128xf32, #tpu.memory_space<hbm>>
      tpu.wait_dma2 semaphore(%run_scoped3A : memref<!tpu.dma_semaphore, #tpu.memory_space<semaphore_mem>>) src(%dma_wait3A_40 : memref<432x128xf32, #tpu.memory_space<hbm>>) dst(%dma_wait3A_38 : memref<432x128xf32, #tpu.memory_space<vmem_shared>>)
      tpu.yield
    }) : () -> ()
    "tpu.region"() ({
      %run_scoped3A = tpu.sem_alloc : memref<!tpu.dma_semaphore, #tpu.memory_space<semaphore_mem>>
      %dma_start3A_33 = arith.constant 0 : i32
      %dma_start3A_34 = arith.constant 0 : i32
      %dma_start3A_35 = tpu.memref_slice %arg3[%arg0, %arg1, %dma_start3A_33, %dma_start3A_34] : memref<2x16x160x128xi32, #tpu.memory_space<hbm>> -> memref<1x1x160x128xi32, #tpu.memory_space<hbm>>
      %dma_start3A_36 = tpu.memref_squeeze %dma_start3A_35 : memref<1x1x160x128xi32, #tpu.memory_space<hbm>> -> memref<160x128xi32, #tpu.memory_space<hbm>>
      %dma_start3A_37 = arith.constant 0 : i32
      %dma_start3A_38 = arith.constant 0 : i32
      %dma_start3A_39 = tpu.memref_slice %arg3[%arg0, %arg1, %dma_start3A_37, %dma_start3A_38] : memref<2x16x160x128xi32, #tpu.memory_space<hbm>> -> memref<1x1x160x128xi32, #tpu.memory_space<hbm>>
      %dma_start3A_40 = tpu.memref_squeeze %dma_start3A_39 : memref<1x1x160x128xi32, #tpu.memory_space<hbm>> -> memref<160x128xi32, #tpu.memory_space<hbm>>
      tpu.enqueue_dma source(%dma_start3A_40 : memref<160x128xi32, #tpu.memory_space<hbm>>) target(%arg7 : memref<160x128xi32, #tpu.memory_space<vmem>>) target_semaphore(%run_scoped3A : memref<!tpu.dma_semaphore, #tpu.memory_space<semaphore_mem>>)
      %dma_wait3A_41 = arith.constant 0 : i32
      %dma_wait3A_42 = arith.constant 0 : i32
      %dma_wait3A_43 = tpu.memref_slice %arg3[%arg0, %arg1, %dma_wait3A_41, %dma_wait3A_42] : memref<2x16x160x128xi32, #tpu.memory_space<hbm>> -> memref<1x1x160x128xi32, #tpu.memory_space<hbm>>
      %dma_wait3A_44 = tpu.memref_squeeze %dma_wait3A_43 : memref<1x1x160x128xi32, #tpu.memory_space<hbm>> -> memref<160x128xi32, #tpu.memory_space<hbm>>
      %dma_wait3A_45 = arith.constant 0 : i32
      %dma_wait3A_46 = arith.constant 0 : i32
      %dma_wait3A_47 = tpu.memref_slice %arg3[%arg0, %arg1, %dma_wait3A_45, %dma_wait3A_46] : memref<2x16x160x128xi32, #tpu.memory_space<hbm>> -> memref<1x1x160x128xi32, #tpu.memory_space<hbm>>
      %dma_wait3A_48 = tpu.memref_squeeze %dma_wait3A_47 : memref<1x1x160x128xi32, #tpu.memory_space<hbm>> -> memref<160x128xi32, #tpu.memory_space<hbm>>
      tpu.wait_dma2 semaphore(%run_scoped3A : memref<!tpu.dma_semaphore, #tpu.memory_space<semaphore_mem>>) src(%dma_wait3A_48 : memref<160x128xi32, #tpu.memory_space<hbm>>) dst(%arg7 : memref<160x128xi32, #tpu.memory_space<vmem>>)
      tpu.yield
    }) : () -> ()
    "tpu.region"() ({
      %run_scoped3A = tpu.sem_alloc : memref<!tpu.dma_semaphore, #tpu.memory_space<semaphore_mem>>
      %dma_start3A_33 = arith.constant 0 : i32
      %dma_start3A_34 = arith.constant 0 : i32
      %dma_start3A_35 = tpu.memref_slice %arg4[%arg0, %arg1, %dma_start3A_33, %dma_start3A_34] : memref<2x16x160x128xi32, #tpu.memory_space<hbm>> -> memref<1x1x160x128xi32, #tpu.memory_space<hbm>>
      %dma_start3A_36 = tpu.memref_squeeze %dma_start3A_35 : memref<1x1x160x128xi32, #tpu.memory_space<hbm>> -> memref<160x128xi32, #tpu.memory_space<hbm>>
      %dma_start3A_37 = arith.constant 0 : i32
      %dma_start3A_38 = arith.constant 0 : i32
      %dma_start3A_39 = tpu.memref_slice %arg4[%arg0, %arg1, %dma_start3A_37, %dma_start3A_38] : memref<2x16x160x128xi32, #tpu.memory_space<hbm>> -> memref<1x1x160x128xi32, #tpu.memory_space<hbm>>
      %dma_start3A_40 = tpu.memref_squeeze %dma_start3A_39 : memref<1x1x160x128xi32, #tpu.memory_space<hbm>> -> memref<160x128xi32, #tpu.memory_space<hbm>>
      tpu.enqueue_dma source(%dma_start3A_40 : memref<160x128xi32, #tpu.memory_space<hbm>>) target(%arg8 : memref<160x128xi32, #tpu.memory_space<vmem>>) target_semaphore(%run_scoped3A : memref<!tpu.dma_semaphore, #tpu.memory_space<semaphore_mem>>)
      %dma_wait3A_41 = arith.constant 0 : i32
      %dma_wait3A_42 = arith.constant 0 : i32
      %dma_wait3A_43 = tpu.memref_slice %arg4[%arg0, %arg1, %dma_wait3A_41, %dma_wait3A_42] : memref<2x16x160x128xi32, #tpu.memory_space<hbm>> -> memref<1x1x160x128xi32, #tpu.memory_space<hbm>>
      %dma_wait3A_44 = tpu.memref_squeeze %dma_wait3A_43 : memref<1x1x160x128xi32, #tpu.memory_space<hbm>> -> memref<160x128xi32, #tpu.memory_space<hbm>>
      %dma_wait3A_45 = arith.constant 0 : i32
      %dma_wait3A_46 = arith.constant 0 : i32
      %dma_wait3A_47 = tpu.memref_slice %arg4[%arg0, %arg1, %dma_wait3A_45, %dma_wait3A_46] : memref<2x16x160x128xi32, #tpu.memory_space<hbm>> -> memref<1x1x160x128xi32, #tpu.memory_space<hbm>>
      %dma_wait3A_48 = tpu.memref_squeeze %dma_wait3A_47 : memref<1x1x160x128xi32, #tpu.memory_space<hbm>> -> memref<160x128xi32, #tpu.memory_space<hbm>>
      tpu.wait_dma2 semaphore(%run_scoped3A : memref<!tpu.dma_semaphore, #tpu.memory_space<semaphore_mem>>) src(%dma_wait3A_48 : memref<160x128xi32, #tpu.memory_space<hbm>>) dst(%arg8 : memref<160x128xi32, #tpu.memory_space<vmem>>)
      tpu.yield
    }) : () -> ()
    %barrier3A = arith.constant 0 : index
    tpu.barrier barrier_id(%barrier3A)
    %dma_start3A = arith.constant 0 : i32
    %dma_start3A_1 = arith.constant 0 : i32
    %dma_start3A_2 = tpu.memref_slice %arg7[%dma_start3A, %dma_start3A_1] : memref<160x128xi32, #tpu.memory_space<vmem>> -> memref<1x128xi32, #tpu.memory_space<vmem>>
    %dma_start3A_3 = tpu.memref_squeeze %dma_start3A_2 : memref<1x128xi32, #tpu.memory_space<vmem>> -> memref<128xi32, #tpu.memory_space<vmem>>
    %dma_start3A_4 = arith.constant 0 : i32
    %dma_start3A_5 = arith.constant 0 : i32
    %dma_start3A_6 = tpu.memref_slice %arg2[%dma_start3A_4, %dma_start3A_5] : memref<10000x128xf32, #tpu.memory_space<hbm>> -> memref<10000x128xf32, #tpu.memory_space<hbm>>
    tpu.enqueue_indirect_dma source(%dma_start3A_6 : memref<10000x128xf32, #tpu.memory_space<hbm>>) target(%arg9 : memref<128x128xf32, #tpu.memory_space<vmem>>) offsets(%dma_start3A_3 : memref<128xi32, #tpu.memory_space<vmem>>) semaphore(%arg12 : memref<!tpu.dma_semaphore, #tpu.memory_space<semaphore_mem>>)
    %dma_start3A_7 = arith.constant 1 : i32
    %dma_start3A_8 = arith.constant 0 : i32
    %dma_start3A_9 = tpu.memref_slice %arg7[%dma_start3A_7, %dma_start3A_8] : memref<160x128xi32, #tpu.memory_space<vmem>> -> memref<1x128xi32, #tpu.memory_space<vmem>>
    %dma_start3A_10 = tpu.memref_squeeze %dma_start3A_9 : memref<1x128xi32, #tpu.memory_space<vmem>> -> memref<128xi32, #tpu.memory_space<vmem>>
    %dma_start3A_11 = arith.constant 0 : i32
    %dma_start3A_12 = arith.constant 0 : i32
    %dma_start3A_13 = tpu.memref_slice %arg2[%dma_start3A_11, %dma_start3A_12] : memref<10000x128xf32, #tpu.memory_space<hbm>> -> memref<10000x128xf32, #tpu.memory_space<hbm>>
    tpu.enqueue_indirect_dma source(%dma_start3A_13 : memref<10000x128xf32, #tpu.memory_space<hbm>>) target(%arg10 : memref<128x128xf32, #tpu.memory_space<vmem>>) offsets(%dma_start3A_10 : memref<128xi32, #tpu.memory_space<vmem>>) semaphore(%arg13 : memref<!tpu.dma_semaphore, #tpu.memory_space<semaphore_mem>>)
    %scan3A = arith.constant 0 : i32
    %scan3A_14 = arith.constant 0 : i32
    %scan3A_15 = arith.constant 80 : i32
    %scan3A_16 = arith.addi %scan3A_14, %scan3A_15 : i32
    %scan3A_17 = arith.constant 1 : i32
    scf.for %scan3A_33 = %scan3A_14 to %scan3A_16 step %scan3A_17  : i32 {
      %mul3A_34 = arith.constant 2 : i32
      %mul3A_35 = arith.muli %mul3A_34, %scan3A_33 : i32
      %add3A = arith.constant 1 : i32
      %add3A_36 = arith.addi %mul3A_35, %add3A : i32
      %dma_wait3A_37 = arith.constant 0 : i32
      %dma_wait3A_38 = arith.constant 0 : i32
      %dma_wait3A_39 = tpu.memref_slice %arg7[%dma_wait3A_37, %dma_wait3A_38] : memref<160x128xi32, #tpu.memory_space<vmem>> -> memref<1x128xi32, #tpu.memory_space<vmem>>
      %dma_wait3A_40 = tpu.memref_squeeze %dma_wait3A_39 : memref<1x128xi32, #tpu.memory_space<vmem>> -> memref<128xi32, #tpu.memory_space<vmem>>
      %dma_wait3A_41 = arith.constant 0 : i32
      %dma_wait3A_42 = arith.constant 0 : i32
      %dma_wait3A_43 = tpu.memref_slice %arg2[%dma_wait3A_41, %dma_wait3A_42] : memref<10000x128xf32, #tpu.memory_space<hbm>> -> memref<10000x128xf32, #tpu.memory_space<hbm>>
      tpu.wait_indirect_dma semaphore(%arg12 : memref<!tpu.dma_semaphore, #tpu.memory_space<semaphore_mem>>) src(%dma_wait3A_43 : memref<10000x128xf32, #tpu.memory_space<hbm>>) dst(%arg9 : memref<128x128xf32, #tpu.memory_space<vmem>>)
      "tpu.region"() ({
        %run_scoped3A = tpu.sem_alloc : memref<!tpu.dma_semaphore, #tpu.memory_space<semaphore_mem>>
        %dma_start3A_92 = arith.constant 0 : i32
        %dma_start3A_93 = tpu.memref_slice %arg8[%mul3A_35, %dma_start3A_92] : memref<160x128xi32, #tpu.memory_space<vmem>> -> memref<1x128xi32, #tpu.memory_space<vmem>>
        %dma_start3A_94 = tpu.memref_squeeze %dma_start3A_93 : memref<1x128xi32, #tpu.memory_space<vmem>> -> memref<128xi32, #tpu.memory_space<vmem>>
        %dma_start3A_95 = arith.constant 0 : i32
        %dma_start3A_96 = arith.constant 0 : i32
        %dma_start3A_97 = tpu.memref_slice %arg11[%dma_start3A_95, %dma_start3A_96] : memref<6912x128xf32, #tpu.memory_space<vmem_shared>> -> memref<6912x128xf32, #tpu.memory_space<vmem_shared>>
        tpu.enqueue_indirect_dma source(%arg9 : memref<128x128xf32, #tpu.memory_space<vmem>>) target(%dma_start3A_97 : memref<6912x128xf32, #tpu.memory_space<vmem_shared>>) offsets(%dma_start3A_94 : memref<128xi32, #tpu.memory_space<vmem>>) semaphore(%run_scoped3A : memref<!tpu.dma_semaphore, #tpu.memory_space<semaphore_mem>>) {add = true}
        %dma_wait3A_98 = arith.constant 0 : i32
        %dma_wait3A_99 = tpu.memref_slice %arg8[%mul3A_35, %dma_wait3A_98] : memref<160x128xi32, #tpu.memory_space<vmem>> -> memref<1x128xi32, #tpu.memory_space<vmem>>
        %dma_wait3A_100 = tpu.memref_squeeze %dma_wait3A_99 : memref<1x128xi32, #tpu.memory_space<vmem>> -> memref<128xi32, #tpu.memory_space<vmem>>
        %dma_wait3A_101 = arith.constant 0 : i32
        %dma_wait3A_102 = arith.constant 0 : i32
        %dma_wait3A_103 = tpu.memref_slice %arg11[%dma_wait3A_101, %dma_wait3A_102] : memref<6912x128xf32, #tpu.memory_space<vmem_shared>> -> memref<6912x128xf32, #tpu.memory_space<vmem_shared>>
        tpu.wait_indirect_dma semaphore(%run_scoped3A : memref<!tpu.dma_semaphore, #tpu.memory_space<semaphore_mem>>) src(%arg9 : memref<128x128xf32, #tpu.memory_space<vmem>>) dst(%dma_wait3A_103 : memref<6912x128xf32, #tpu.memory_space<vmem_shared>>)
        tpu.yield
      }) : () -> ()
      %add3A_44 = arith.constant 2 : i32
      %add3A_45 = arith.addi %mul3A_35, %add3A_44 : i32
      %jit3A = arith.constant 160 : i32
      %eq3A = arith.constant 0 : i32
      %eq3A_46 = arith.cmpi eq, %jit3A, %eq3A : i32
      %jit3A_47 = arith.constant 1 : i32
      %select_n3A = arith.select %eq3A_46, %jit3A_47, %jit3A : i32
      %rem3A = arith.remsi %add3A_45, %select_n3A : i32
      %ne3A = arith.constant 0 : i32
      %ne3A_48 = arith.cmpi ne, %rem3A, %ne3A : i32
      %lt3A = arith.constant 0 : i32
      %lt3A_49 = arith.cmpi slt, %rem3A, %lt3A : i32
      %lt3A_50 = arith.constant 0 : i32
      %lt3A_51 = arith.cmpi slt, %select_n3A, %lt3A_50 : i32
      %ne3A_52 = arith.xori %lt3A_49, %lt3A_51 : i1
      %and3A = arith.andi %ne3A_52, %ne3A_48 : i1
      %add3A_53 = arith.addi %rem3A, %select_n3A : i32
      %select_n3A_54 = arith.select %and3A, %add3A_53, %rem3A : i32
      %dma_start3A_55 = arith.constant 0 : i32
      %dma_start3A_56 = tpu.memref_slice %arg7[%select_n3A_54, %dma_start3A_55] : memref<160x128xi32, #tpu.memory_space<vmem>> -> memref<1x128xi32, #tpu.memory_space<vmem>>
      %dma_start3A_57 = tpu.memref_squeeze %dma_start3A_56 : memref<1x128xi32, #tpu.memory_space<vmem>> -> memref<128xi32, #tpu.memory_space<vmem>>
      %dma_start3A_58 = arith.constant 0 : i32
      %dma_start3A_59 = arith.constant 0 : i32
      %dma_start3A_60 = tpu.memref_slice %arg2[%dma_start3A_58, %dma_start3A_59] : memref<10000x128xf32, #tpu.memory_space<hbm>> -> memref<10000x128xf32, #tpu.memory_space<hbm>>
      tpu.enqueue_indirect_dma source(%dma_start3A_60 : memref<10000x128xf32, #tpu.memory_space<hbm>>) target(%arg9 : memref<128x128xf32, #tpu.memory_space<vmem>>) offsets(%dma_start3A_57 : memref<128xi32, #tpu.memory_space<vmem>>) semaphore(%arg12 : memref<!tpu.dma_semaphore, #tpu.memory_space<semaphore_mem>>)
      %dma_wait3A_61 = arith.constant 0 : i32
      %dma_wait3A_62 = arith.constant 0 : i32
      %dma_wait3A_63 = tpu.memref_slice %arg7[%dma_wait3A_61, %dma_wait3A_62] : memref<160x128xi32, #tpu.memory_space<vmem>> -> memref<1x128xi32, #tpu.memory_space<vmem>>
      %dma_wait3A_64 = tpu.memref_squeeze %dma_wait3A_63 : memref<1x128xi32, #tpu.memory_space<vmem>> -> memref<128xi32, #tpu.memory_space<vmem>>
      %dma_wait3A_65 = arith.constant 0 : i32
      %dma_wait3A_66 = arith.constant 0 : i32
      %dma_wait3A_67 = tpu.memref_slice %arg2[%dma_wait3A_65, %dma_wait3A_66] : memref<10000x128xf32, #tpu.memory_space<hbm>> -> memref<10000x128xf32, #tpu.memory_space<hbm>>
      tpu.wait_indirect_dma semaphore(%arg13 : memref<!tpu.dma_semaphore, #tpu.memory_space<semaphore_mem>>) src(%dma_wait3A_67 : memref<10000x128xf32, #tpu.memory_space<hbm>>) dst(%arg10 : memref<128x128xf32, #tpu.memory_space<vmem>>)
      "tpu.region"() ({
        %run_scoped3A = tpu.sem_alloc : memref<!tpu.dma_semaphore, #tpu.memory_space<semaphore_mem>>
        %dma_start3A_92 = arith.constant 0 : i32
        %dma_start3A_93 = tpu.memref_slice %arg8[%add3A_36, %dma_start3A_92] : memref<160x128xi32, #tpu.memory_space<vmem>> -> memref<1x128xi32, #tpu.memory_space<vmem>>
        %dma_start3A_94 = tpu.memref_squeeze %dma_start3A_93 : memref<1x128xi32, #tpu.memory_space<vmem>> -> memref<128xi32, #tpu.memory_space<vmem>>
        %dma_start3A_95 = arith.constant 0 : i32
        %dma_start3A_96 = arith.constant 0 : i32
        %dma_start3A_97 = tpu.memref_slice %arg11[%dma_start3A_95, %dma_start3A_96] : memref<6912x128xf32, #tpu.memory_space<vmem_shared>> -> memref<6912x128xf32, #tpu.memory_space<vmem_shared>>
        tpu.enqueue_indirect_dma source(%arg10 : memref<128x128xf32, #tpu.memory_space<vmem>>) target(%dma_start3A_97 : memref<6912x128xf32, #tpu.memory_space<vmem_shared>>) offsets(%dma_start3A_94 : memref<128xi32, #tpu.memory_space<vmem>>) semaphore(%run_scoped3A : memref<!tpu.dma_semaphore, #tpu.memory_space<semaphore_mem>>) {add = true}
        %dma_wait3A_98 = arith.constant 0 : i32
        %dma_wait3A_99 = tpu.memref_slice %arg8[%add3A_36, %dma_wait3A_98] : memref<160x128xi32, #tpu.memory_space<vmem>> -> memref<1x128xi32, #tpu.memory_space<vmem>>
        %dma_wait3A_100 = tpu.memref_squeeze %dma_wait3A_99 : memref<1x128xi32, #tpu.memory_space<vmem>> -> memref<128xi32, #tpu.memory_space<vmem>>
        %dma_wait3A_101 = arith.constant 0 : i32
        %dma_wait3A_102 = arith.constant 0 : i32
        %dma_wait3A_103 = tpu.memref_slice %arg11[%dma_wait3A_101, %dma_wait3A_102] : memref<6912x128xf32, #tpu.memory_space<vmem_shared>> -> memref<6912x128xf32, #tpu.memory_space<vmem_shared>>
        tpu.wait_indirect_dma semaphore(%run_scoped3A : memref<!tpu.dma_semaphore, #tpu.memory_space<semaphore_mem>>) src(%arg10 : memref<128x128xf32, #tpu.memory_space<vmem>>) dst(%dma_wait3A_103 : memref<6912x128xf32, #tpu.memory_space<vmem_shared>>)
        tpu.yield
      }) : () -> ()
      %add3A_68 = arith.constant 2 : i32
      %add3A_69 = arith.addi %add3A_36, %add3A_68 : i32
      %jit3A_70 = arith.constant 160 : i32
      %eq3A_71 = arith.constant 0 : i32
      %eq3A_72 = arith.cmpi eq, %jit3A_70, %eq3A_71 : i32
      %jit3A_73 = arith.constant 1 : i32
      %select_n3A_74 = arith.select %eq3A_72, %jit3A_73, %jit3A_70 : i32
      %rem3A_75 = arith.remsi %add3A_69, %select_n3A_74 : i32
      %ne3A_76 = arith.constant 0 : i32
      %ne3A_77 = arith.cmpi ne, %rem3A_75, %ne3A_76 : i32
      %lt3A_78 = arith.constant 0 : i32
      %lt3A_79 = arith.cmpi slt, %rem3A_75, %lt3A_78 : i32
      %lt3A_80 = arith.constant 0 : i32
      %lt3A_81 = arith.cmpi slt, %select_n3A_74, %lt3A_80 : i32
      %ne3A_82 = arith.xori %lt3A_79, %lt3A_81 : i1
      %and3A_83 = arith.andi %ne3A_82, %ne3A_77 : i1
      %add3A_84 = arith.addi %rem3A_75, %select_n3A_74 : i32
      %select_n3A_85 = arith.select %and3A_83, %add3A_84, %rem3A_75 : i32
      %dma_start3A_86 = arith.constant 0 : i32
      %dma_start3A_87 = tpu.memref_slice %arg7[%select_n3A_85, %dma_start3A_86] : memref<160x128xi32, #tpu.memory_space<vmem>> -> memref<1x128xi32, #tpu.memory_space<vmem>>
      %dma_start3A_88 = tpu.memref_squeeze %dma_start3A_87 : memref<1x128xi32, #tpu.memory_space<vmem>> -> memref<128xi32, #tpu.memory_space<vmem>>
      %dma_start3A_89 = arith.constant 0 : i32
      %dma_start3A_90 = arith.constant 0 : i32
      %dma_start3A_91 = tpu.memref_slice %arg2[%dma_start3A_89, %dma_start3A_90] : memref<10000x128xf32, #tpu.memory_space<hbm>> -> memref<10000x128xf32, #tpu.memory_space<hbm>>
      tpu.enqueue_indirect_dma source(%dma_start3A_91 : memref<10000x128xf32, #tpu.memory_space<hbm>>) target(%arg10 : memref<128x128xf32, #tpu.memory_space<vmem>>) offsets(%dma_start3A_88 : memref<128xi32, #tpu.memory_space<vmem>>) semaphore(%arg13 : memref<!tpu.dma_semaphore, #tpu.memory_space<semaphore_mem>>)
    }
    %scan3A_18 = arith.constant 80 : i32
    %dma_wait3A = arith.constant 0 : i32
    %dma_wait3A_19 = arith.constant 0 : i32
    %dma_wait3A_20 = tpu.memref_slice %arg7[%dma_wait3A, %dma_wait3A_19] : memref<160x128xi32, #tpu.memory_space<vmem>> -> memref<1x128xi32, #tpu.memory_space<vmem>>
    %dma_wait3A_21 = tpu.memref_squeeze %dma_wait3A_20 : memref<1x128xi32, #tpu.memory_space<vmem>> -> memref<128xi32, #tpu.memory_space<vmem>>
    %dma_wait3A_22 = arith.constant 0 : i32
    %dma_wait3A_23 = arith.constant 0 : i32
    %dma_wait3A_24 = tpu.memref_slice %arg2[%dma_wait3A_22, %dma_wait3A_23] : memref<10000x128xf32, #tpu.memory_space<hbm>> -> memref<10000x128xf32, #tpu.memory_space<hbm>>
    tpu.wait_indirect_dma semaphore(%arg12 : memref<!tpu.dma_semaphore, #tpu.memory_space<semaphore_mem>>) src(%dma_wait3A_24 : memref<10000x128xf32, #tpu.memory_space<hbm>>) dst(%arg9 : memref<128x128xf32, #tpu.memory_space<vmem>>)
    %dma_wait3A_25 = arith.constant 0 : i32
    %dma_wait3A_26 = arith.constant 0 : i32
    %dma_wait3A_27 = tpu.memref_slice %arg7[%dma_wait3A_25, %dma_wait3A_26] : memref<160x128xi32, #tpu.memory_space<vmem>> -> memref<1x128xi32, #tpu.memory_space<vmem>>
    %dma_wait3A_28 = tpu.memref_squeeze %dma_wait3A_27 : memref<1x128xi32, #tpu.memory_space<vmem>> -> memref<128xi32, #tpu.memory_space<vmem>>
    %dma_wait3A_29 = arith.constant 0 : i32
    %dma_wait3A_30 = arith.constant 0 : i32
    %dma_wait3A_31 = tpu.memref_slice %arg2[%dma_wait3A_29, %dma_wait3A_30] : memref<10000x128xf32, #tpu.memory_space<hbm>> -> memref<10000x128xf32, #tpu.memory_space<hbm>>
    tpu.wait_indirect_dma semaphore(%arg13 : memref<!tpu.dma_semaphore, #tpu.memory_space<semaphore_mem>>) src(%dma_wait3A_31 : memref<10000x128xf32, #tpu.memory_space<hbm>>) dst(%arg10 : memref<128x128xf32, #tpu.memory_space<vmem>>)
    %barrier3A_32 = arith.constant 0 : index
    tpu.barrier barrier_id(%barrier3A_32)
    "tpu.region"() ({
      %run_scoped3A = tpu.sem_alloc : memref<!tpu.dma_semaphore, #tpu.memory_space<semaphore_mem>>
      %dma_start3A_33 = arith.constant 0 : i32
      %dma_start3A_34 = tpu.memref_slice %arg6[%arg0, %mul3A_0, %dma_start3A_33] : memref<2x6912x128xf32, #tpu.memory_space<hbm>> -> memref<1x432x128xf32, #tpu.memory_space<hbm>>
      %dma_start3A_35 = tpu.memref_squeeze %dma_start3A_34 : memref<1x432x128xf32, #tpu.memory_space<hbm>> -> memref<432x128xf32, #tpu.memory_space<hbm>>
      %dma_start3A_36 = arith.constant 0 : i32
      %dma_start3A_37 = tpu.memref_slice %arg11[%mul3A_0, %dma_start3A_36] : memref<6912x128xf32, #tpu.memory_space<vmem_shared>> -> memref<432x128xf32, #tpu.memory_space<vmem_shared>>
      tpu.enqueue_dma source(%dma_start3A_37 : memref<432x128xf32, #tpu.memory_space<vmem_shared>>) target(%dma_start3A_35 : memref<432x128xf32, #tpu.memory_space<hbm>>) target_semaphore(%run_scoped3A : memref<!tpu.dma_semaphore, #tpu.memory_space<semaphore_mem>>)
      %dma_wait3A_38 = arith.constant 0 : i32
      %dma_wait3A_39 = tpu.memref_slice %arg6[%arg0, %mul3A_0, %dma_wait3A_38] : memref<2x6912x128xf32, #tpu.memory_space<hbm>> -> memref<1x432x128xf32, #tpu.memory_space<hbm>>
      %dma_wait3A_40 = tpu.memref_squeeze %dma_wait3A_39 : memref<1x432x128xf32, #tpu.memory_space<hbm>> -> memref<432x128xf32, #tpu.memory_space<hbm>>
      %dma_wait3A_41 = arith.constant 0 : i32
      %dma_wait3A_42 = tpu.memref_slice %arg11[%mul3A_0, %dma_wait3A_41] : memref<6912x128xf32, #tpu.memory_space<vmem_shared>> -> memref<432x128xf32, #tpu.memory_space<vmem_shared>>
      tpu.wait_dma2 semaphore(%run_scoped3A : memref<!tpu.dma_semaphore, #tpu.memory_space<semaphore_mem>>) src(%dma_wait3A_42 : memref<432x128xf32, #tpu.memory_space<vmem_shared>>) dst(%dma_wait3A_40 : memref<432x128xf32, #tpu.memory_space<hbm>>)
      tpu.yield
    }) : () -> ()
    return
  }
}

#map = affine_map<(d0, d1) -> (0, 0)>
#map1 = affine_map<(d0, d1) -> (0, 0, 0, 0)>
#map2 = affine_map<(d0, d1) -> (0, 0, 0)>
#map3 = affine_map<(d0, d1) -> (0)>
module attributes {stable_mosaic.version = 14 : i64} {
  func.func @body(%arg0: i32, %arg1: i32, %arg2: memref<10000x128xf32, #tpu.memory_space<hbm>>, %arg3: memref<2x16x160x128xi32, #tpu.memory_space<hbm>>, %arg4: memref<2x16x160x128xi32, #tpu.memory_space<hbm>>, %arg5: memref<6912x128xf32, #tpu.memory_space<hbm>>, %arg6: memref<2x6912x128xf32, #tpu.memory_space<hbm>>, %arg7: memref<6912xf32, #tpu.memory_space<hbm>>, %arg8: memref<6912xf32, #tpu.memory_space<hbm>>, %arg9: memref<160x128xi32, #tpu.memory_space<vmem>>, %arg10: memref<160x128xi32, #tpu.memory_space<vmem>>, %arg11: memref<128x128xf32, #tpu.memory_space<vmem>>, %arg12: memref<128x128xf32, #tpu.memory_space<vmem>>, %arg13: memref<6912x128xf32, #tpu.memory_space<vmem_shared>>, %arg14: memref<!tpu.dma_semaphore, #tpu.memory_space<semaphore_mem>>, %arg15: memref<!tpu.dma_semaphore, #tpu.memory_space<semaphore_mem>>, %arg16: memref<128xf32, #tpu.memory_space<vmem>>, %arg17: memref<432xf32, #tpu.memory_space<vmem>>, %arg18: memref<6912xf32, #tpu.memory_space<vmem_shared>>) attributes {dimension_semantics = [#tpu.dimension_semantics<core_parallel>, #tpu.dimension_semantics<subcore_parallel>], iteration_bounds = array<i64: 2, 16>, scalar_prefetch = 0 : i64, scratch_operands = 10 : i64, tpu.core_type = #tpu.core_type<sc_vector_subcore>, window_params = [{transform_indices = #map}, {transform_indices = #map1}, {transform_indices = #map1}, {transform_indices = #map}, {transform_indices = #map2}, {transform_indices = #map3}, {transform_indices = #map3}]} {
    %mul3A = arith.constant 432 : i32
    %mul3A_0 = arith.muli %arg1, %mul3A : i32
    "tpu.region"() ({
      %run_scoped3A = tpu.sem_alloc : memref<!tpu.dma_semaphore, #tpu.memory_space<semaphore_mem>>
      %dma_start3A_248 = arith.constant 0 : i32
      %dma_start3A_249 = tpu.memref_slice %arg13[%mul3A_0, %dma_start3A_248] : memref<6912x128xf32, #tpu.memory_space<vmem_shared>> -> memref<432x128xf32, #tpu.memory_space<vmem_shared>>
      %dma_start3A_250 = arith.constant 0 : i32
      %dma_start3A_251 = tpu.memref_slice %arg5[%mul3A_0, %dma_start3A_250] : memref<6912x128xf32, #tpu.memory_space<hbm>> -> memref<432x128xf32, #tpu.memory_space<hbm>>
      tpu.enqueue_dma source(%dma_start3A_251 : memref<432x128xf32, #tpu.memory_space<hbm>>) target(%dma_start3A_249 : memref<432x128xf32, #tpu.memory_space<vmem_shared>>) target_semaphore(%run_scoped3A : memref<!tpu.dma_semaphore, #tpu.memory_space<semaphore_mem>>)
      %dma_wait3A_252 = arith.constant 0 : i32
      %dma_wait3A_253 = tpu.memref_slice %arg13[%mul3A_0, %dma_wait3A_252] : memref<6912x128xf32, #tpu.memory_space<vmem_shared>> -> memref<432x128xf32, #tpu.memory_space<vmem_shared>>
      %dma_wait3A_254 = arith.constant 0 : i32
      %dma_wait3A_255 = tpu.memref_slice %arg5[%mul3A_0, %dma_wait3A_254] : memref<6912x128xf32, #tpu.memory_space<hbm>> -> memref<432x128xf32, #tpu.memory_space<hbm>>
      tpu.wait_dma2 semaphore(%run_scoped3A : memref<!tpu.dma_semaphore, #tpu.memory_space<semaphore_mem>>) src(%dma_wait3A_255 : memref<432x128xf32, #tpu.memory_space<hbm>>) dst(%dma_wait3A_253 : memref<432x128xf32, #tpu.memory_space<vmem_shared>>)
      tpu.yield
    }) : () -> ()
    "tpu.region"() ({
      %run_scoped3A = tpu.sem_alloc : memref<!tpu.dma_semaphore, #tpu.memory_space<semaphore_mem>>
      %dma_start3A_248 = arith.constant 0 : i32
      %dma_start3A_249 = arith.constant 0 : i32
      %dma_start3A_250 = tpu.memref_slice %arg3[%arg0, %arg1, %dma_start3A_248, %dma_start3A_249] : memref<2x16x160x128xi32, #tpu.memory_space<hbm>> -> memref<1x1x160x128xi32, #tpu.memory_space<hbm>>
      %dma_start3A_251 = tpu.memref_squeeze %dma_start3A_250 : memref<1x1x160x128xi32, #tpu.memory_space<hbm>> -> memref<160x128xi32, #tpu.memory_space<hbm>>
      %dma_start3A_252 = arith.constant 0 : i32
      %dma_start3A_253 = arith.constant 0 : i32
      %dma_start3A_254 = tpu.memref_slice %arg3[%arg0, %arg1, %dma_start3A_252, %dma_start3A_253] : memref<2x16x160x128xi32, #tpu.memory_space<hbm>> -> memref<1x1x160x128xi32, #tpu.memory_space<hbm>>
      %dma_start3A_255 = tpu.memref_squeeze %dma_start3A_254 : memref<1x1x160x128xi32, #tpu.memory_space<hbm>> -> memref<160x128xi32, #tpu.memory_space<hbm>>
      tpu.enqueue_dma source(%dma_start3A_255 : memref<160x128xi32, #tpu.memory_space<hbm>>) target(%arg9 : memref<160x128xi32, #tpu.memory_space<vmem>>) target_semaphore(%run_scoped3A : memref<!tpu.dma_semaphore, #tpu.memory_space<semaphore_mem>>)
      %dma_wait3A_256 = arith.constant 0 : i32
      %dma_wait3A_257 = arith.constant 0 : i32
      %dma_wait3A_258 = tpu.memref_slice %arg3[%arg0, %arg1, %dma_wait3A_256, %dma_wait3A_257] : memref<2x16x160x128xi32, #tpu.memory_space<hbm>> -> memref<1x1x160x128xi32, #tpu.memory_space<hbm>>
      %dma_wait3A_259 = tpu.memref_squeeze %dma_wait3A_258 : memref<1x1x160x128xi32, #tpu.memory_space<hbm>> -> memref<160x128xi32, #tpu.memory_space<hbm>>
      %dma_wait3A_260 = arith.constant 0 : i32
      %dma_wait3A_261 = arith.constant 0 : i32
      %dma_wait3A_262 = tpu.memref_slice %arg3[%arg0, %arg1, %dma_wait3A_260, %dma_wait3A_261] : memref<2x16x160x128xi32, #tpu.memory_space<hbm>> -> memref<1x1x160x128xi32, #tpu.memory_space<hbm>>
      %dma_wait3A_263 = tpu.memref_squeeze %dma_wait3A_262 : memref<1x1x160x128xi32, #tpu.memory_space<hbm>> -> memref<160x128xi32, #tpu.memory_space<hbm>>
      tpu.wait_dma2 semaphore(%run_scoped3A : memref<!tpu.dma_semaphore, #tpu.memory_space<semaphore_mem>>) src(%dma_wait3A_263 : memref<160x128xi32, #tpu.memory_space<hbm>>) dst(%arg9 : memref<160x128xi32, #tpu.memory_space<vmem>>)
      tpu.yield
    }) : () -> ()
    "tpu.region"() ({
      %run_scoped3A = tpu.sem_alloc : memref<!tpu.dma_semaphore, #tpu.memory_space<semaphore_mem>>
      %dma_start3A_248 = arith.constant 0 : i32
      %dma_start3A_249 = arith.constant 0 : i32
      %dma_start3A_250 = tpu.memref_slice %arg4[%arg0, %arg1, %dma_start3A_248, %dma_start3A_249] : memref<2x16x160x128xi32, #tpu.memory_space<hbm>> -> memref<1x1x160x128xi32, #tpu.memory_space<hbm>>
      %dma_start3A_251 = tpu.memref_squeeze %dma_start3A_250 : memref<1x1x160x128xi32, #tpu.memory_space<hbm>> -> memref<160x128xi32, #tpu.memory_space<hbm>>
      %dma_start3A_252 = arith.constant 0 : i32
      %dma_start3A_253 = arith.constant 0 : i32
      %dma_start3A_254 = tpu.memref_slice %arg4[%arg0, %arg1, %dma_start3A_252, %dma_start3A_253] : memref<2x16x160x128xi32, #tpu.memory_space<hbm>> -> memref<1x1x160x128xi32, #tpu.memory_space<hbm>>
      %dma_start3A_255 = tpu.memref_squeeze %dma_start3A_254 : memref<1x1x160x128xi32, #tpu.memory_space<hbm>> -> memref<160x128xi32, #tpu.memory_space<hbm>>
      tpu.enqueue_dma source(%dma_start3A_255 : memref<160x128xi32, #tpu.memory_space<hbm>>) target(%arg10 : memref<160x128xi32, #tpu.memory_space<vmem>>) target_semaphore(%run_scoped3A : memref<!tpu.dma_semaphore, #tpu.memory_space<semaphore_mem>>)
      %dma_wait3A_256 = arith.constant 0 : i32
      %dma_wait3A_257 = arith.constant 0 : i32
      %dma_wait3A_258 = tpu.memref_slice %arg4[%arg0, %arg1, %dma_wait3A_256, %dma_wait3A_257] : memref<2x16x160x128xi32, #tpu.memory_space<hbm>> -> memref<1x1x160x128xi32, #tpu.memory_space<hbm>>
      %dma_wait3A_259 = tpu.memref_squeeze %dma_wait3A_258 : memref<1x1x160x128xi32, #tpu.memory_space<hbm>> -> memref<160x128xi32, #tpu.memory_space<hbm>>
      %dma_wait3A_260 = arith.constant 0 : i32
      %dma_wait3A_261 = arith.constant 0 : i32
      %dma_wait3A_262 = tpu.memref_slice %arg4[%arg0, %arg1, %dma_wait3A_260, %dma_wait3A_261] : memref<2x16x160x128xi32, #tpu.memory_space<hbm>> -> memref<1x1x160x128xi32, #tpu.memory_space<hbm>>
      %dma_wait3A_263 = tpu.memref_squeeze %dma_wait3A_262 : memref<1x1x160x128xi32, #tpu.memory_space<hbm>> -> memref<160x128xi32, #tpu.memory_space<hbm>>
      tpu.wait_dma2 semaphore(%run_scoped3A : memref<!tpu.dma_semaphore, #tpu.memory_space<semaphore_mem>>) src(%dma_wait3A_263 : memref<160x128xi32, #tpu.memory_space<hbm>>) dst(%arg10 : memref<160x128xi32, #tpu.memory_space<vmem>>)
      tpu.yield
    }) : () -> ()
    %broadcast_in_dim3A = arith.constant 0.000000e+00 : f32
    %broadcast_in_dim3A_1 = vector.broadcast %broadcast_in_dim3A : f32 to vector<16xf32>
    %swap3A = arith.constant 0 : index
    %swap3A_2 = tpu.vector_load %arg17[%swap3A] {strides = array<i32>} : memref<432xf32, #tpu.memory_space<vmem>>, vector<16xf32>,
    %swap3A_3 = vector.shape_cast %swap3A_2 : vector<16xf32> to vector<16xf32>
    %swap3A_4 = vector.shape_cast %broadcast_in_dim3A_1 : vector<16xf32> to vector<16xf32>
    tpu.vector_store %arg17[%swap3A], %swap3A_4 {strides = array<i32>} : memref<432xf32, #tpu.memory_space<vmem>>, vector<16xf32>,
    %broadcast_in_dim3A_5 = arith.constant 0.000000e+00 : f32
    %broadcast_in_dim3A_6 = vector.broadcast %broadcast_in_dim3A_5 : f32 to vector<16xf32>
    %swap3A_7 = arith.constant 16 : index
    %swap3A_8 = tpu.vector_load %arg17[%swap3A_7] {strides = array<i32>} : memref<432xf32, #tpu.memory_space<vmem>>, vector<16xf32>,
    %swap3A_9 = vector.shape_cast %swap3A_8 : vector<16xf32> to vector<16xf32>
    %swap3A_10 = vector.shape_cast %broadcast_in_dim3A_6 : vector<16xf32> to vector<16xf32>
    tpu.vector_store %arg17[%swap3A_7], %swap3A_10 {strides = array<i32>} : memref<432xf32, #tpu.memory_space<vmem>>, vector<16xf32>,
    %broadcast_in_dim3A_11 = arith.constant 0.000000e+00 : f32
    %broadcast_in_dim3A_12 = vector.broadcast %broadcast_in_dim3A_11 : f32 to vector<16xf32>
    %swap3A_13 = arith.constant 32 : index
    %swap3A_14 = tpu.vector_load %arg17[%swap3A_13] {strides = array<i32>} : memref<432xf32, #tpu.memory_space<vmem>>, vector<16xf32>,
    %swap3A_15 = vector.shape_cast %swap3A_14 : vector<16xf32> to vector<16xf32>
    %swap3A_16 = vector.shape_cast %broadcast_in_dim3A_12 : vector<16xf32> to vector<16xf32>
    tpu.vector_store %arg17[%swap3A_13], %swap3A_16 {strides = array<i32>} : memref<432xf32, #tpu.memory_space<vmem>>, vector<16xf32>,
    %broadcast_in_dim3A_17 = arith.constant 0.000000e+00 : f32
    %broadcast_in_dim3A_18 = vector.broadcast %broadcast_in_dim3A_17 : f32 to vector<16xf32>
    %swap3A_19 = arith.constant 48 : index
    %swap3A_20 = tpu.vector_load %arg17[%swap3A_19] {strides = array<i32>} : memref<432xf32, #tpu.memory_space<vmem>>, vector<16xf32>,
    %swap3A_21 = vector.shape_cast %swap3A_20 : vector<16xf32> to vector<16xf32>
    %swap3A_22 = vector.shape_cast %broadcast_in_dim3A_18 : vector<16xf32> to vector<16xf32>
    tpu.vector_store %arg17[%swap3A_19], %swap3A_22 {strides = array<i32>} : memref<432xf32, #tpu.memory_space<vmem>>, vector<16xf32>,
    %broadcast_in_dim3A_23 = arith.constant 0.000000e+00 : f32
    %broadcast_in_dim3A_24 = vector.broadcast %broadcast_in_dim3A_23 : f32 to vector<16xf32>
    %swap3A_25 = arith.constant 64 : index
    %swap3A_26 = tpu.vector_load %arg17[%swap3A_25] {strides = array<i32>} : memref<432xf32, #tpu.memory_space<vmem>>, vector<16xf32>,
    %swap3A_27 = vector.shape_cast %swap3A_26 : vector<16xf32> to vector<16xf32>
    %swap3A_28 = vector.shape_cast %broadcast_in_dim3A_24 : vector<16xf32> to vector<16xf32>
    tpu.vector_store %arg17[%swap3A_25], %swap3A_28 {strides = array<i32>} : memref<432xf32, #tpu.memory_space<vmem>>, vector<16xf32>,
    %broadcast_in_dim3A_29 = arith.constant 0.000000e+00 : f32
    %broadcast_in_dim3A_30 = vector.broadcast %broadcast_in_dim3A_29 : f32 to vector<16xf32>
    %swap3A_31 = arith.constant 80 : index
    %swap3A_32 = tpu.vector_load %arg17[%swap3A_31] {strides = array<i32>} : memref<432xf32, #tpu.memory_space<vmem>>, vector<16xf32>,
    %swap3A_33 = vector.shape_cast %swap3A_32 : vector<16xf32> to vector<16xf32>
    %swap3A_34 = vector.shape_cast %broadcast_in_dim3A_30 : vector<16xf32> to vector<16xf32>
    tpu.vector_store %arg17[%swap3A_31], %swap3A_34 {strides = array<i32>} : memref<432xf32, #tpu.memory_space<vmem>>, vector<16xf32>,
    %broadcast_in_dim3A_35 = arith.constant 0.000000e+00 : f32
    %broadcast_in_dim3A_36 = vector.broadcast %broadcast_in_dim3A_35 : f32 to vector<16xf32>
    %swap3A_37 = arith.constant 96 : index
    %swap3A_38 = tpu.vector_load %arg17[%swap3A_37] {strides = array<i32>} : memref<432xf32, #tpu.memory_space<vmem>>, vector<16xf32>,
    %swap3A_39 = vector.shape_cast %swap3A_38 : vector<16xf32> to vector<16xf32>
    %swap3A_40 = vector.shape_cast %broadcast_in_dim3A_36 : vector<16xf32> to vector<16xf32>
    tpu.vector_store %arg17[%swap3A_37], %swap3A_40 {strides = array<i32>} : memref<432xf32, #tpu.memory_space<vmem>>, vector<16xf32>,
    %broadcast_in_dim3A_41 = arith.constant 0.000000e+00 : f32
    %broadcast_in_dim3A_42 = vector.broadcast %broadcast_in_dim3A_41 : f32 to vector<16xf32>
    %swap3A_43 = arith.constant 112 : index
    %swap3A_44 = tpu.vector_load %arg17[%swap3A_43] {strides = array<i32>} : memref<432xf32, #tpu.memory_space<vmem>>, vector<16xf32>,
    %swap3A_45 = vector.shape_cast %swap3A_44 : vector<16xf32> to vector<16xf32>
    %swap3A_46 = vector.shape_cast %broadcast_in_dim3A_42 : vector<16xf32> to vector<16xf32>
    tpu.vector_store %arg17[%swap3A_43], %swap3A_46 {strides = array<i32>} : memref<432xf32, #tpu.memory_space<vmem>>, vector<16xf32>,
    %broadcast_in_dim3A_47 = arith.constant 0.000000e+00 : f32
    %broadcast_in_dim3A_48 = vector.broadcast %broadcast_in_dim3A_47 : f32 to vector<16xf32>
    %swap3A_49 = arith.constant 128 : index
    %swap3A_50 = tpu.vector_load %arg17[%swap3A_49] {strides = array<i32>} : memref<432xf32, #tpu.memory_space<vmem>>, vector<16xf32>,
    %swap3A_51 = vector.shape_cast %swap3A_50 : vector<16xf32> to vector<16xf32>
    %swap3A_52 = vector.shape_cast %broadcast_in_dim3A_48 : vector<16xf32> to vector<16xf32>
    tpu.vector_store %arg17[%swap3A_49], %swap3A_52 {strides = array<i32>} : memref<432xf32, #tpu.memory_space<vmem>>, vector<16xf32>,
    %broadcast_in_dim3A_53 = arith.constant 0.000000e+00 : f32
    %broadcast_in_dim3A_54 = vector.broadcast %broadcast_in_dim3A_53 : f32 to vector<16xf32>
    %swap3A_55 = arith.constant 144 : index
    %swap3A_56 = tpu.vector_load %arg17[%swap3A_55] {strides = array<i32>} : memref<432xf32, #tpu.memory_space<vmem>>, vector<16xf32>,
    %swap3A_57 = vector.shape_cast %swap3A_56 : vector<16xf32> to vector<16xf32>
    %swap3A_58 = vector.shape_cast %broadcast_in_dim3A_54 : vector<16xf32> to vector<16xf32>
    tpu.vector_store %arg17[%swap3A_55], %swap3A_58 {strides = array<i32>} : memref<432xf32, #tpu.memory_space<vmem>>, vector<16xf32>,
    %broadcast_in_dim3A_59 = arith.constant 0.000000e+00 : f32
    %broadcast_in_dim3A_60 = vector.broadcast %broadcast_in_dim3A_59 : f32 to vector<16xf32>
    %swap3A_61 = arith.constant 160 : index
    %swap3A_62 = tpu.vector_load %arg17[%swap3A_61] {strides = array<i32>} : memref<432xf32, #tpu.memory_space<vmem>>, vector<16xf32>,
    %swap3A_63 = vector.shape_cast %swap3A_62 : vector<16xf32> to vector<16xf32>
    %swap3A_64 = vector.shape_cast %broadcast_in_dim3A_60 : vector<16xf32> to vector<16xf32>
    tpu.vector_store %arg17[%swap3A_61], %swap3A_64 {strides = array<i32>} : memref<432xf32, #tpu.memory_space<vmem>>, vector<16xf32>,
    %broadcast_in_dim3A_65 = arith.constant 0.000000e+00 : f32
    %broadcast_in_dim3A_66 = vector.broadcast %broadcast_in_dim3A_65 : f32 to vector<16xf32>
    %swap3A_67 = arith.constant 176 : index
    %swap3A_68 = tpu.vector_load %arg17[%swap3A_67] {strides = array<i32>} : memref<432xf32, #tpu.memory_space<vmem>>, vector<16xf32>,
    %swap3A_69 = vector.shape_cast %swap3A_68 : vector<16xf32> to vector<16xf32>
    %swap3A_70 = vector.shape_cast %broadcast_in_dim3A_66 : vector<16xf32> to vector<16xf32>
    tpu.vector_store %arg17[%swap3A_67], %swap3A_70 {strides = array<i32>} : memref<432xf32, #tpu.memory_space<vmem>>, vector<16xf32>,
    %broadcast_in_dim3A_71 = arith.constant 0.000000e+00 : f32
    %broadcast_in_dim3A_72 = vector.broadcast %broadcast_in_dim3A_71 : f32 to vector<16xf32>
    %swap3A_73 = arith.constant 192 : index
    %swap3A_74 = tpu.vector_load %arg17[%swap3A_73] {strides = array<i32>} : memref<432xf32, #tpu.memory_space<vmem>>, vector<16xf32>,
    %swap3A_75 = vector.shape_cast %swap3A_74 : vector<16xf32> to vector<16xf32>
    %swap3A_76 = vector.shape_cast %broadcast_in_dim3A_72 : vector<16xf32> to vector<16xf32>
    tpu.vector_store %arg17[%swap3A_73], %swap3A_76 {strides = array<i32>} : memref<432xf32, #tpu.memory_space<vmem>>, vector<16xf32>,
    %broadcast_in_dim3A_77 = arith.constant 0.000000e+00 : f32
    %broadcast_in_dim3A_78 = vector.broadcast %broadcast_in_dim3A_77 : f32 to vector<16xf32>
    %swap3A_79 = arith.constant 208 : index
    %swap3A_80 = tpu.vector_load %arg17[%swap3A_79] {strides = array<i32>} : memref<432xf32, #tpu.memory_space<vmem>>, vector<16xf32>,
    %swap3A_81 = vector.shape_cast %swap3A_80 : vector<16xf32> to vector<16xf32>
    %swap3A_82 = vector.shape_cast %broadcast_in_dim3A_78 : vector<16xf32> to vector<16xf32>
    tpu.vector_store %arg17[%swap3A_79], %swap3A_82 {strides = array<i32>} : memref<432xf32, #tpu.memory_space<vmem>>, vector<16xf32>,
    %broadcast_in_dim3A_83 = arith.constant 0.000000e+00 : f32
    %broadcast_in_dim3A_84 = vector.broadcast %broadcast_in_dim3A_83 : f32 to vector<16xf32>
    %swap3A_85 = arith.constant 224 : index
    %swap3A_86 = tpu.vector_load %arg17[%swap3A_85] {strides = array<i32>} : memref<432xf32, #tpu.memory_space<vmem>>, vector<16xf32>,
    %swap3A_87 = vector.shape_cast %swap3A_86 : vector<16xf32> to vector<16xf32>
    %swap3A_88 = vector.shape_cast %broadcast_in_dim3A_84 : vector<16xf32> to vector<16xf32>
    tpu.vector_store %arg17[%swap3A_85], %swap3A_88 {strides = array<i32>} : memref<432xf32, #tpu.memory_space<vmem>>, vector<16xf32>,
    %broadcast_in_dim3A_89 = arith.constant 0.000000e+00 : f32
    %broadcast_in_dim3A_90 = vector.broadcast %broadcast_in_dim3A_89 : f32 to vector<16xf32>
    %swap3A_91 = arith.constant 240 : index
    %swap3A_92 = tpu.vector_load %arg17[%swap3A_91] {strides = array<i32>} : memref<432xf32, #tpu.memory_space<vmem>>, vector<16xf32>,
    %swap3A_93 = vector.shape_cast %swap3A_92 : vector<16xf32> to vector<16xf32>
    %swap3A_94 = vector.shape_cast %broadcast_in_dim3A_90 : vector<16xf32> to vector<16xf32>
    tpu.vector_store %arg17[%swap3A_91], %swap3A_94 {strides = array<i32>} : memref<432xf32, #tpu.memory_space<vmem>>, vector<16xf32>,
    %broadcast_in_dim3A_95 = arith.constant 0.000000e+00 : f32
    %broadcast_in_dim3A_96 = vector.broadcast %broadcast_in_dim3A_95 : f32 to vector<16xf32>
    %swap3A_97 = arith.constant 256 : index
    %swap3A_98 = tpu.vector_load %arg17[%swap3A_97] {strides = array<i32>} : memref<432xf32, #tpu.memory_space<vmem>>, vector<16xf32>,
    %swap3A_99 = vector.shape_cast %swap3A_98 : vector<16xf32> to vector<16xf32>
    %swap3A_100 = vector.shape_cast %broadcast_in_dim3A_96 : vector<16xf32> to vector<16xf32>
    tpu.vector_store %arg17[%swap3A_97], %swap3A_100 {strides = array<i32>} : memref<432xf32, #tpu.memory_space<vmem>>, vector<16xf32>,
    %broadcast_in_dim3A_101 = arith.constant 0.000000e+00 : f32
    %broadcast_in_dim3A_102 = vector.broadcast %broadcast_in_dim3A_101 : f32 to vector<16xf32>
    %swap3A_103 = arith.constant 272 : index
    %swap3A_104 = tpu.vector_load %arg17[%swap3A_103] {strides = array<i32>} : memref<432xf32, #tpu.memory_space<vmem>>, vector<16xf32>,
    %swap3A_105 = vector.shape_cast %swap3A_104 : vector<16xf32> to vector<16xf32>
    %swap3A_106 = vector.shape_cast %broadcast_in_dim3A_102 : vector<16xf32> to vector<16xf32>
    tpu.vector_store %arg17[%swap3A_103], %swap3A_106 {strides = array<i32>} : memref<432xf32, #tpu.memory_space<vmem>>, vector<16xf32>,
    %broadcast_in_dim3A_107 = arith.constant 0.000000e+00 : f32
    %broadcast_in_dim3A_108 = vector.broadcast %broadcast_in_dim3A_107 : f32 to vector<16xf32>
    %swap3A_109 = arith.constant 288 : index
    %swap3A_110 = tpu.vector_load %arg17[%swap3A_109] {strides = array<i32>} : memref<432xf32, #tpu.memory_space<vmem>>, vector<16xf32>,
    %swap3A_111 = vector.shape_cast %swap3A_110 : vector<16xf32> to vector<16xf32>
    %swap3A_112 = vector.shape_cast %broadcast_in_dim3A_108 : vector<16xf32> to vector<16xf32>
    tpu.vector_store %arg17[%swap3A_109], %swap3A_112 {strides = array<i32>} : memref<432xf32, #tpu.memory_space<vmem>>, vector<16xf32>,
    %broadcast_in_dim3A_113 = arith.constant 0.000000e+00 : f32
    %broadcast_in_dim3A_114 = vector.broadcast %broadcast_in_dim3A_113 : f32 to vector<16xf32>
    %swap3A_115 = arith.constant 304 : index
    %swap3A_116 = tpu.vector_load %arg17[%swap3A_115] {strides = array<i32>} : memref<432xf32, #tpu.memory_space<vmem>>, vector<16xf32>,
    %swap3A_117 = vector.shape_cast %swap3A_116 : vector<16xf32> to vector<16xf32>
    %swap3A_118 = vector.shape_cast %broadcast_in_dim3A_114 : vector<16xf32> to vector<16xf32>
    tpu.vector_store %arg17[%swap3A_115], %swap3A_118 {strides = array<i32>} : memref<432xf32, #tpu.memory_space<vmem>>, vector<16xf32>,
    %broadcast_in_dim3A_119 = arith.constant 0.000000e+00 : f32
    %broadcast_in_dim3A_120 = vector.broadcast %broadcast_in_dim3A_119 : f32 to vector<16xf32>
    %swap3A_121 = arith.constant 320 : index
    %swap3A_122 = tpu.vector_load %arg17[%swap3A_121] {strides = array<i32>} : memref<432xf32, #tpu.memory_space<vmem>>, vector<16xf32>,
    %swap3A_123 = vector.shape_cast %swap3A_122 : vector<16xf32> to vector<16xf32>
    %swap3A_124 = vector.shape_cast %broadcast_in_dim3A_120 : vector<16xf32> to vector<16xf32>
    tpu.vector_store %arg17[%swap3A_121], %swap3A_124 {strides = array<i32>} : memref<432xf32, #tpu.memory_space<vmem>>, vector<16xf32>,
    %broadcast_in_dim3A_125 = arith.constant 0.000000e+00 : f32
    %broadcast_in_dim3A_126 = vector.broadcast %broadcast_in_dim3A_125 : f32 to vector<16xf32>
    %swap3A_127 = arith.constant 336 : index
    %swap3A_128 = tpu.vector_load %arg17[%swap3A_127] {strides = array<i32>} : memref<432xf32, #tpu.memory_space<vmem>>, vector<16xf32>,
    %swap3A_129 = vector.shape_cast %swap3A_128 : vector<16xf32> to vector<16xf32>
    %swap3A_130 = vector.shape_cast %broadcast_in_dim3A_126 : vector<16xf32> to vector<16xf32>
    tpu.vector_store %arg17[%swap3A_127], %swap3A_130 {strides = array<i32>} : memref<432xf32, #tpu.memory_space<vmem>>, vector<16xf32>,
    %broadcast_in_dim3A_131 = arith.constant 0.000000e+00 : f32
    %broadcast_in_dim3A_132 = vector.broadcast %broadcast_in_dim3A_131 : f32 to vector<16xf32>
    %swap3A_133 = arith.constant 352 : index
    %swap3A_134 = tpu.vector_load %arg17[%swap3A_133] {strides = array<i32>} : memref<432xf32, #tpu.memory_space<vmem>>, vector<16xf32>,
    %swap3A_135 = vector.shape_cast %swap3A_134 : vector<16xf32> to vector<16xf32>
    %swap3A_136 = vector.shape_cast %broadcast_in_dim3A_132 : vector<16xf32> to vector<16xf32>
    tpu.vector_store %arg17[%swap3A_133], %swap3A_136 {strides = array<i32>} : memref<432xf32, #tpu.memory_space<vmem>>, vector<16xf32>,
    %broadcast_in_dim3A_137 = arith.constant 0.000000e+00 : f32
    %broadcast_in_dim3A_138 = vector.broadcast %broadcast_in_dim3A_137 : f32 to vector<16xf32>
    %swap3A_139 = arith.constant 368 : index
    %swap3A_140 = tpu.vector_load %arg17[%swap3A_139] {strides = array<i32>} : memref<432xf32, #tpu.memory_space<vmem>>, vector<16xf32>,
    %swap3A_141 = vector.shape_cast %swap3A_140 : vector<16xf32> to vector<16xf32>
    %swap3A_142 = vector.shape_cast %broadcast_in_dim3A_138 : vector<16xf32> to vector<16xf32>
    tpu.vector_store %arg17[%swap3A_139], %swap3A_142 {strides = array<i32>} : memref<432xf32, #tpu.memory_space<vmem>>, vector<16xf32>,
    %broadcast_in_dim3A_143 = arith.constant 0.000000e+00 : f32
    %broadcast_in_dim3A_144 = vector.broadcast %broadcast_in_dim3A_143 : f32 to vector<16xf32>
    %swap3A_145 = arith.constant 384 : index
    %swap3A_146 = tpu.vector_load %arg17[%swap3A_145] {strides = array<i32>} : memref<432xf32, #tpu.memory_space<vmem>>, vector<16xf32>,
    %swap3A_147 = vector.shape_cast %swap3A_146 : vector<16xf32> to vector<16xf32>
    %swap3A_148 = vector.shape_cast %broadcast_in_dim3A_144 : vector<16xf32> to vector<16xf32>
    tpu.vector_store %arg17[%swap3A_145], %swap3A_148 {strides = array<i32>} : memref<432xf32, #tpu.memory_space<vmem>>, vector<16xf32>,
    %broadcast_in_dim3A_149 = arith.constant 0.000000e+00 : f32
    %broadcast_in_dim3A_150 = vector.broadcast %broadcast_in_dim3A_149 : f32 to vector<16xf32>
    %swap3A_151 = arith.constant 400 : index
    %swap3A_152 = tpu.vector_load %arg17[%swap3A_151] {strides = array<i32>} : memref<432xf32, #tpu.memory_space<vmem>>, vector<16xf32>,
    %swap3A_153 = vector.shape_cast %swap3A_152 : vector<16xf32> to vector<16xf32>
    %swap3A_154 = vector.shape_cast %broadcast_in_dim3A_150 : vector<16xf32> to vector<16xf32>
    tpu.vector_store %arg17[%swap3A_151], %swap3A_154 {strides = array<i32>} : memref<432xf32, #tpu.memory_space<vmem>>, vector<16xf32>,
    %broadcast_in_dim3A_155 = arith.constant 0.000000e+00 : f32
    %broadcast_in_dim3A_156 = vector.broadcast %broadcast_in_dim3A_155 : f32 to vector<16xf32>
    %swap3A_157 = arith.constant 416 : index
    %swap3A_158 = tpu.vector_load %arg17[%swap3A_157] {strides = array<i32>} : memref<432xf32, #tpu.memory_space<vmem>>, vector<16xf32>,
    %swap3A_159 = vector.shape_cast %swap3A_158 : vector<16xf32> to vector<16xf32>
    %swap3A_160 = vector.shape_cast %broadcast_in_dim3A_156 : vector<16xf32> to vector<16xf32>
    tpu.vector_store %arg17[%swap3A_157], %swap3A_160 {strides = array<i32>} : memref<432xf32, #tpu.memory_space<vmem>>, vector<16xf32>,
    "tpu.region"() ({
      %run_scoped3A = tpu.sem_alloc : memref<!tpu.dma_semaphore, #tpu.memory_space<semaphore_mem>>
      %dma_start3A_248 = tpu.memref_slice %arg18[%mul3A_0] : memref<6912xf32, #tpu.memory_space<vmem_shared>> -> memref<432xf32, #tpu.memory_space<vmem_shared>>
      %dma_start3A_249 = tpu.memref_slice %arg18[%mul3A_0] : memref<6912xf32, #tpu.memory_space<vmem_shared>> -> memref<432xf32, #tpu.memory_space<vmem_shared>>
      tpu.enqueue_dma source(%arg17 : memref<432xf32, #tpu.memory_space<vmem>>) target(%dma_start3A_249 : memref<432xf32, #tpu.memory_space<vmem_shared>>) target_semaphore(%run_scoped3A : memref<!tpu.dma_semaphore, #tpu.memory_space<semaphore_mem>>)
      %dma_wait3A_250 = tpu.memref_slice %arg18[%mul3A_0] : memref<6912xf32, #tpu.memory_space<vmem_shared>> -> memref<432xf32, #tpu.memory_space<vmem_shared>>
      %dma_wait3A_251 = tpu.memref_slice %arg18[%mul3A_0] : memref<6912xf32, #tpu.memory_space<vmem_shared>> -> memref<432xf32, #tpu.memory_space<vmem_shared>>
      tpu.wait_dma2 semaphore(%run_scoped3A : memref<!tpu.dma_semaphore, #tpu.memory_space<semaphore_mem>>) src(%arg17 : memref<432xf32, #tpu.memory_space<vmem>>) dst(%dma_wait3A_251 : memref<432xf32, #tpu.memory_space<vmem_shared>>)
      tpu.yield
    }) : () -> ()
    %broadcast_in_dim3A_161 = arith.constant 1.000000e+00 : f32
    %broadcast_in_dim3A_162 = vector.broadcast %broadcast_in_dim3A_161 : f32 to vector<16xf32>
    %swap3A_163 = arith.constant 0 : index
    %swap3A_164 = tpu.vector_load %arg16[%swap3A_163] {strides = array<i32>} : memref<128xf32, #tpu.memory_space<vmem>>, vector<16xf32>,
    %swap3A_165 = vector.shape_cast %swap3A_164 : vector<16xf32> to vector<16xf32>
    %swap3A_166 = vector.shape_cast %broadcast_in_dim3A_162 : vector<16xf32> to vector<16xf32>
    tpu.vector_store %arg16[%swap3A_163], %swap3A_166 {strides = array<i32>} : memref<128xf32, #tpu.memory_space<vmem>>, vector<16xf32>,
    %broadcast_in_dim3A_167 = arith.constant 1.000000e+00 : f32
    %broadcast_in_dim3A_168 = vector.broadcast %broadcast_in_dim3A_167 : f32 to vector<16xf32>
    %swap3A_169 = arith.constant 16 : index
    %swap3A_170 = tpu.vector_load %arg16[%swap3A_169] {strides = array<i32>} : memref<128xf32, #tpu.memory_space<vmem>>, vector<16xf32>,
    %swap3A_171 = vector.shape_cast %swap3A_170 : vector<16xf32> to vector<16xf32>
    %swap3A_172 = vector.shape_cast %broadcast_in_dim3A_168 : vector<16xf32> to vector<16xf32>
    tpu.vector_store %arg16[%swap3A_169], %swap3A_172 {strides = array<i32>} : memref<128xf32, #tpu.memory_space<vmem>>, vector<16xf32>,
    %broadcast_in_dim3A_173 = arith.constant 1.000000e+00 : f32
    %broadcast_in_dim3A_174 = vector.broadcast %broadcast_in_dim3A_173 : f32 to vector<16xf32>
    %swap3A_175 = arith.constant 32 : index
    %swap3A_176 = tpu.vector_load %arg16[%swap3A_175] {strides = array<i32>} : memref<128xf32, #tpu.memory_space<vmem>>, vector<16xf32>,
    %swap3A_177 = vector.shape_cast %swap3A_176 : vector<16xf32> to vector<16xf32>
    %swap3A_178 = vector.shape_cast %broadcast_in_dim3A_174 : vector<16xf32> to vector<16xf32>
    tpu.vector_store %arg16[%swap3A_175], %swap3A_178 {strides = array<i32>} : memref<128xf32, #tpu.memory_space<vmem>>, vector<16xf32>,
    %broadcast_in_dim3A_179 = arith.constant 1.000000e+00 : f32
    %broadcast_in_dim3A_180 = vector.broadcast %broadcast_in_dim3A_179 : f32 to vector<16xf32>
    %swap3A_181 = arith.constant 48 : index
    %swap3A_182 = tpu.vector_load %arg16[%swap3A_181] {strides = array<i32>} : memref<128xf32, #tpu.memory_space<vmem>>, vector<16xf32>,
    %swap3A_183 = vector.shape_cast %swap3A_182 : vector<16xf32> to vector<16xf32>
    %swap3A_184 = vector.shape_cast %broadcast_in_dim3A_180 : vector<16xf32> to vector<16xf32>
    tpu.vector_store %arg16[%swap3A_181], %swap3A_184 {strides = array<i32>} : memref<128xf32, #tpu.memory_space<vmem>>, vector<16xf32>,
    %broadcast_in_dim3A_185 = arith.constant 1.000000e+00 : f32
    %broadcast_in_dim3A_186 = vector.broadcast %broadcast_in_dim3A_185 : f32 to vector<16xf32>
    %swap3A_187 = arith.constant 64 : index
    %swap3A_188 = tpu.vector_load %arg16[%swap3A_187] {strides = array<i32>} : memref<128xf32, #tpu.memory_space<vmem>>, vector<16xf32>,
    %swap3A_189 = vector.shape_cast %swap3A_188 : vector<16xf32> to vector<16xf32>
    %swap3A_190 = vector.shape_cast %broadcast_in_dim3A_186 : vector<16xf32> to vector<16xf32>
    tpu.vector_store %arg16[%swap3A_187], %swap3A_190 {strides = array<i32>} : memref<128xf32, #tpu.memory_space<vmem>>, vector<16xf32>,
    %broadcast_in_dim3A_191 = arith.constant 1.000000e+00 : f32
    %broadcast_in_dim3A_192 = vector.broadcast %broadcast_in_dim3A_191 : f32 to vector<16xf32>
    %swap3A_193 = arith.constant 80 : index
    %swap3A_194 = tpu.vector_load %arg16[%swap3A_193] {strides = array<i32>} : memref<128xf32, #tpu.memory_space<vmem>>, vector<16xf32>,
    %swap3A_195 = vector.shape_cast %swap3A_194 : vector<16xf32> to vector<16xf32>
    %swap3A_196 = vector.shape_cast %broadcast_in_dim3A_192 : vector<16xf32> to vector<16xf32>
    tpu.vector_store %arg16[%swap3A_193], %swap3A_196 {strides = array<i32>} : memref<128xf32, #tpu.memory_space<vmem>>, vector<16xf32>,
    %broadcast_in_dim3A_197 = arith.constant 1.000000e+00 : f32
    %broadcast_in_dim3A_198 = vector.broadcast %broadcast_in_dim3A_197 : f32 to vector<16xf32>
    %swap3A_199 = arith.constant 96 : index
    %swap3A_200 = tpu.vector_load %arg16[%swap3A_199] {strides = array<i32>} : memref<128xf32, #tpu.memory_space<vmem>>, vector<16xf32>,
    %swap3A_201 = vector.shape_cast %swap3A_200 : vector<16xf32> to vector<16xf32>
    %swap3A_202 = vector.shape_cast %broadcast_in_dim3A_198 : vector<16xf32> to vector<16xf32>
    tpu.vector_store %arg16[%swap3A_199], %swap3A_202 {strides = array<i32>} : memref<128xf32, #tpu.memory_space<vmem>>, vector<16xf32>,
    %broadcast_in_dim3A_203 = arith.constant 1.000000e+00 : f32
    %broadcast_in_dim3A_204 = vector.broadcast %broadcast_in_dim3A_203 : f32 to vector<16xf32>
    %swap3A_205 = arith.constant 112 : index
    %swap3A_206 = tpu.vector_load %arg16[%swap3A_205] {strides = array<i32>} : memref<128xf32, #tpu.memory_space<vmem>>, vector<16xf32>,
    %swap3A_207 = vector.shape_cast %swap3A_206 : vector<16xf32> to vector<16xf32>
    %swap3A_208 = vector.shape_cast %broadcast_in_dim3A_204 : vector<16xf32> to vector<16xf32>
    tpu.vector_store %arg16[%swap3A_205], %swap3A_208 {strides = array<i32>} : memref<128xf32, #tpu.memory_space<vmem>>, vector<16xf32>,
    %barrier3A = arith.constant 0 : index
    tpu.barrier barrier_id(%barrier3A)
    %dma_start3A = arith.constant 0 : i32
    %dma_start3A_209 = arith.constant 0 : i32
    %dma_start3A_210 = tpu.memref_slice %arg9[%dma_start3A, %dma_start3A_209] : memref<160x128xi32, #tpu.memory_space<vmem>> -> memref<1x128xi32, #tpu.memory_space<vmem>>
    %dma_start3A_211 = tpu.memref_squeeze %dma_start3A_210 : memref<1x128xi32, #tpu.memory_space<vmem>> -> memref<128xi32, #tpu.memory_space<vmem>>
    %dma_start3A_212 = arith.constant 0 : i32
    %dma_start3A_213 = arith.constant 0 : i32
    %dma_start3A_214 = tpu.memref_slice %arg2[%dma_start3A_212, %dma_start3A_213] : memref<10000x128xf32, #tpu.memory_space<hbm>> -> memref<10000x128xf32, #tpu.memory_space<hbm>>
    tpu.enqueue_indirect_dma source(%dma_start3A_214 : memref<10000x128xf32, #tpu.memory_space<hbm>>) target(%arg11 : memref<128x128xf32, #tpu.memory_space<vmem>>) offsets(%dma_start3A_211 : memref<128xi32, #tpu.memory_space<vmem>>) semaphore(%arg14 : memref<!tpu.dma_semaphore, #tpu.memory_space<semaphore_mem>>)
    %dma_start3A_215 = arith.constant 1 : i32
    %dma_start3A_216 = arith.constant 0 : i32
    %dma_start3A_217 = tpu.memref_slice %arg9[%dma_start3A_215, %dma_start3A_216] : memref<160x128xi32, #tpu.memory_space<vmem>> -> memref<1x128xi32, #tpu.memory_space<vmem>>
    %dma_start3A_218 = tpu.memref_squeeze %dma_start3A_217 : memref<1x128xi32, #tpu.memory_space<vmem>> -> memref<128xi32, #tpu.memory_space<vmem>>
    %dma_start3A_219 = arith.constant 0 : i32
    %dma_start3A_220 = arith.constant 0 : i32
    %dma_start3A_221 = tpu.memref_slice %arg2[%dma_start3A_219, %dma_start3A_220] : memref<10000x128xf32, #tpu.memory_space<hbm>> -> memref<10000x128xf32, #tpu.memory_space<hbm>>
    tpu.enqueue_indirect_dma source(%dma_start3A_221 : memref<10000x128xf32, #tpu.memory_space<hbm>>) target(%arg12 : memref<128x128xf32, #tpu.memory_space<vmem>>) offsets(%dma_start3A_218 : memref<128xi32, #tpu.memory_space<vmem>>) semaphore(%arg15 : memref<!tpu.dma_semaphore, #tpu.memory_space<semaphore_mem>>)
    %scan3A = arith.constant 0 : i32
    %scan3A_222 = arith.constant 0 : i32
    %scan3A_223 = arith.constant 80 : i32
    %scan3A_224 = arith.addi %scan3A_222, %scan3A_223 : i32
    %scan3A_225 = arith.constant 1 : i32
    scf.for %scan3A_248 = %scan3A_222 to %scan3A_224 step %scan3A_225  : i32 {
      %mul3A_249 = arith.constant 2 : i32
      %mul3A_250 = arith.muli %mul3A_249, %scan3A_248 : i32
      %add3A = arith.constant 1 : i32
      %add3A_251 = arith.addi %mul3A_250, %add3A : i32
      %dma_wait3A_252 = arith.constant 0 : i32
      %dma_wait3A_253 = arith.constant 0 : i32
      %dma_wait3A_254 = tpu.memref_slice %arg9[%dma_wait3A_252, %dma_wait3A_253] : memref<160x128xi32, #tpu.memory_space<vmem>> -> memref<1x128xi32, #tpu.memory_space<vmem>>
      %dma_wait3A_255 = tpu.memref_squeeze %dma_wait3A_254 : memref<1x128xi32, #tpu.memory_space<vmem>> -> memref<128xi32, #tpu.memory_space<vmem>>
      %dma_wait3A_256 = arith.constant 0 : i32
      %dma_wait3A_257 = arith.constant 0 : i32
      %dma_wait3A_258 = tpu.memref_slice %arg2[%dma_wait3A_256, %dma_wait3A_257] : memref<10000x128xf32, #tpu.memory_space<hbm>> -> memref<10000x128xf32, #tpu.memory_space<hbm>>
      tpu.wait_indirect_dma semaphore(%arg14 : memref<!tpu.dma_semaphore, #tpu.memory_space<semaphore_mem>>) src(%dma_wait3A_258 : memref<10000x128xf32, #tpu.memory_space<hbm>>) dst(%arg11 : memref<128x128xf32, #tpu.memory_space<vmem>>)
      "tpu.region"() ({
        %run_scoped3A = tpu.sem_alloc : memref<!tpu.dma_semaphore, #tpu.memory_space<semaphore_mem>>
        %dma_start3A_308 = arith.constant 0 : i32
        %dma_start3A_309 = tpu.memref_slice %arg10[%mul3A_250, %dma_start3A_308] : memref<160x128xi32, #tpu.memory_space<vmem>> -> memref<1x128xi32, #tpu.memory_space<vmem>>
        %dma_start3A_310 = tpu.memref_squeeze %dma_start3A_309 : memref<1x128xi32, #tpu.memory_space<vmem>> -> memref<128xi32, #tpu.memory_space<vmem>>
        %dma_start3A_311 = arith.constant 0 : i32
        %dma_start3A_312 = arith.constant 0 : i32
        %dma_start3A_313 = tpu.memref_slice %arg13[%dma_start3A_311, %dma_start3A_312] : memref<6912x128xf32, #tpu.memory_space<vmem_shared>> -> memref<6912x128xf32, #tpu.memory_space<vmem_shared>>
        tpu.enqueue_indirect_dma source(%arg11 : memref<128x128xf32, #tpu.memory_space<vmem>>) target(%dma_start3A_313 : memref<6912x128xf32, #tpu.memory_space<vmem_shared>>) offsets(%dma_start3A_310 : memref<128xi32, #tpu.memory_space<vmem>>) semaphore(%run_scoped3A : memref<!tpu.dma_semaphore, #tpu.memory_space<semaphore_mem>>) {add = true}
        %dma_wait3A_314 = arith.constant 0 : i32
        %dma_wait3A_315 = tpu.memref_slice %arg10[%mul3A_250, %dma_wait3A_314] : memref<160x128xi32, #tpu.memory_space<vmem>> -> memref<1x128xi32, #tpu.memory_space<vmem>>
        %dma_wait3A_316 = tpu.memref_squeeze %dma_wait3A_315 : memref<1x128xi32, #tpu.memory_space<vmem>> -> memref<128xi32, #tpu.memory_space<vmem>>
        %dma_wait3A_317 = arith.constant 0 : i32
        %dma_wait3A_318 = arith.constant 0 : i32
        %dma_wait3A_319 = tpu.memref_slice %arg13[%dma_wait3A_317, %dma_wait3A_318] : memref<6912x128xf32, #tpu.memory_space<vmem_shared>> -> memref<6912x128xf32, #tpu.memory_space<vmem_shared>>
        tpu.wait_indirect_dma semaphore(%run_scoped3A : memref<!tpu.dma_semaphore, #tpu.memory_space<semaphore_mem>>) src(%arg11 : memref<128x128xf32, #tpu.memory_space<vmem>>) dst(%dma_wait3A_319 : memref<6912x128xf32, #tpu.memory_space<vmem_shared>>)
        tpu.yield
      }) : () -> ()
      %add3A_259 = arith.constant 2 : i32
      %add3A_260 = arith.addi %mul3A_250, %add3A_259 : i32
      %jit3A = arith.constant 160 : i32
      %eq3A_261 = arith.constant 0 : i32
      %eq3A_262 = arith.cmpi eq, %jit3A, %eq3A_261 : i32
      %jit3A_263 = arith.constant 1 : i32
      %select_n3A = arith.select %eq3A_262, %jit3A_263, %jit3A : i32
      %rem3A = arith.remsi %add3A_260, %select_n3A : i32
      %ne3A = arith.constant 0 : i32
      %ne3A_264 = arith.cmpi ne, %rem3A, %ne3A : i32
      %lt3A = arith.constant 0 : i32
      %lt3A_265 = arith.cmpi slt, %rem3A, %lt3A : i32
      %lt3A_266 = arith.constant 0 : i32
      %lt3A_267 = arith.cmpi slt, %select_n3A, %lt3A_266 : i32
      %ne3A_268 = arith.xori %lt3A_265, %lt3A_267 : i1
      %and3A = arith.andi %ne3A_268, %ne3A_264 : i1
      %add3A_269 = arith.addi %rem3A, %select_n3A : i32
      %select_n3A_270 = arith.select %and3A, %add3A_269, %rem3A : i32
      %dma_start3A_271 = arith.constant 0 : i32
      %dma_start3A_272 = tpu.memref_slice %arg9[%select_n3A_270, %dma_start3A_271] : memref<160x128xi32, #tpu.memory_space<vmem>> -> memref<1x128xi32, #tpu.memory_space<vmem>>
      %dma_start3A_273 = tpu.memref_squeeze %dma_start3A_272 : memref<1x128xi32, #tpu.memory_space<vmem>> -> memref<128xi32, #tpu.memory_space<vmem>>
      %dma_start3A_274 = arith.constant 0 : i32
      %dma_start3A_275 = arith.constant 0 : i32
      %dma_start3A_276 = tpu.memref_slice %arg2[%dma_start3A_274, %dma_start3A_275] : memref<10000x128xf32, #tpu.memory_space<hbm>> -> memref<10000x128xf32, #tpu.memory_space<hbm>>
      tpu.enqueue_indirect_dma source(%dma_start3A_276 : memref<10000x128xf32, #tpu.memory_space<hbm>>) target(%arg11 : memref<128x128xf32, #tpu.memory_space<vmem>>) offsets(%dma_start3A_273 : memref<128xi32, #tpu.memory_space<vmem>>) semaphore(%arg14 : memref<!tpu.dma_semaphore, #tpu.memory_space<semaphore_mem>>)
      "tpu.region"() ({
        %run_scoped3A = tpu.sem_alloc : memref<!tpu.dma_semaphore, #tpu.memory_space<semaphore_mem>>
        %dma_start3A_308 = arith.constant 0 : i32
        %dma_start3A_309 = tpu.memref_slice %arg10[%mul3A_250, %dma_start3A_308] : memref<160x128xi32, #tpu.memory_space<vmem>> -> memref<1x128xi32, #tpu.memory_space<vmem>>
        %dma_start3A_310 = tpu.memref_squeeze %dma_start3A_309 : memref<1x128xi32, #tpu.memory_space<vmem>> -> memref<128xi32, #tpu.memory_space<vmem>>
        %dma_start3A_311 = arith.constant 0 : i32
        %dma_start3A_312 = tpu.memref_slice %arg18[%dma_start3A_311] : memref<6912xf32, #tpu.memory_space<vmem_shared>> -> memref<6912xf32, #tpu.memory_space<vmem_shared>>
        tpu.enqueue_indirect_dma source(%arg16 : memref<128xf32, #tpu.memory_space<vmem>>) target(%dma_start3A_312 : memref<6912xf32, #tpu.memory_space<vmem_shared>>) offsets(%dma_start3A_310 : memref<128xi32, #tpu.memory_space<vmem>>) semaphore(%run_scoped3A : memref<!tpu.dma_semaphore, #tpu.memory_space<semaphore_mem>>) {add = true}
        %dma_wait3A_313 = arith.constant 0 : i32
        %dma_wait3A_314 = tpu.memref_slice %arg10[%mul3A_250, %dma_wait3A_313] : memref<160x128xi32, #tpu.memory_space<vmem>> -> memref<1x128xi32, #tpu.memory_space<vmem>>
        %dma_wait3A_315 = tpu.memref_squeeze %dma_wait3A_314 : memref<1x128xi32, #tpu.memory_space<vmem>> -> memref<128xi32, #tpu.memory_space<vmem>>
        %dma_wait3A_316 = arith.constant 0 : i32
        %dma_wait3A_317 = tpu.memref_slice %arg18[%dma_wait3A_316] : memref<6912xf32, #tpu.memory_space<vmem_shared>> -> memref<6912xf32, #tpu.memory_space<vmem_shared>>
        tpu.wait_indirect_dma semaphore(%run_scoped3A : memref<!tpu.dma_semaphore, #tpu.memory_space<semaphore_mem>>) src(%arg16 : memref<128xf32, #tpu.memory_space<vmem>>) dst(%dma_wait3A_317 : memref<6912xf32, #tpu.memory_space<vmem_shared>>)
        tpu.yield
      }) : () -> ()
      %dma_wait3A_277 = arith.constant 0 : i32
      %dma_wait3A_278 = arith.constant 0 : i32
      %dma_wait3A_279 = tpu.memref_slice %arg9[%dma_wait3A_277, %dma_wait3A_278] : memref<160x128xi32, #tpu.memory_space<vmem>> -> memref<1x128xi32, #tpu.memory_space<vmem>>
      %dma_wait3A_280 = tpu.memref_squeeze %dma_wait3A_279 : memref<1x128xi32, #tpu.memory_space<vmem>> -> memref<128xi32, #tpu.memory_space<vmem>>
      %dma_wait3A_281 = arith.constant 0 : i32
      %dma_wait3A_282 = arith.constant 0 : i32
      %dma_wait3A_283 = tpu.memref_slice %arg2[%dma_wait3A_281, %dma_wait3A_282] : memref<10000x128xf32, #tpu.memory_space<hbm>> -> memref<10000x128xf32, #tpu.memory_space<hbm>>
      tpu.wait_indirect_dma semaphore(%arg15 : memref<!tpu.dma_semaphore, #tpu.memory_space<semaphore_mem>>) src(%dma_wait3A_283 : memref<10000x128xf32, #tpu.memory_space<hbm>>) dst(%arg12 : memref<128x128xf32, #tpu.memory_space<vmem>>)
      "tpu.region"() ({
        %run_scoped3A = tpu.sem_alloc : memref<!tpu.dma_semaphore, #tpu.memory_space<semaphore_mem>>
        %dma_start3A_308 = arith.constant 0 : i32
        %dma_start3A_309 = tpu.memref_slice %arg10[%add3A_251, %dma_start3A_308] : memref<160x128xi32, #tpu.memory_space<vmem>> -> memref<1x128xi32, #tpu.memory_space<vmem>>
        %dma_start3A_310 = tpu.memref_squeeze %dma_start3A_309 : memref<1x128xi32, #tpu.memory_space<vmem>> -> memref<128xi32, #tpu.memory_space<vmem>>
        %dma_start3A_311 = arith.constant 0 : i32
        %dma_start3A_312 = arith.constant 0 : i32
        %dma_start3A_313 = tpu.memref_slice %arg13[%dma_start3A_311, %dma_start3A_312] : memref<6912x128xf32, #tpu.memory_space<vmem_shared>> -> memref<6912x128xf32, #tpu.memory_space<vmem_shared>>
        tpu.enqueue_indirect_dma source(%arg12 : memref<128x128xf32, #tpu.memory_space<vmem>>) target(%dma_start3A_313 : memref<6912x128xf32, #tpu.memory_space<vmem_shared>>) offsets(%dma_start3A_310 : memref<128xi32, #tpu.memory_space<vmem>>) semaphore(%run_scoped3A : memref<!tpu.dma_semaphore, #tpu.memory_space<semaphore_mem>>) {add = true}
        %dma_wait3A_314 = arith.constant 0 : i32
        %dma_wait3A_315 = tpu.memref_slice %arg10[%add3A_251, %dma_wait3A_314] : memref<160x128xi32, #tpu.memory_space<vmem>> -> memref<1x128xi32, #tpu.memory_space<vmem>>
        %dma_wait3A_316 = tpu.memref_squeeze %dma_wait3A_315 : memref<1x128xi32, #tpu.memory_space<vmem>> -> memref<128xi32, #tpu.memory_space<vmem>>
        %dma_wait3A_317 = arith.constant 0 : i32
        %dma_wait3A_318 = arith.constant 0 : i32
        %dma_wait3A_319 = tpu.memref_slice %arg13[%dma_wait3A_317, %dma_wait3A_318] : memref<6912x128xf32, #tpu.memory_space<vmem_shared>> -> memref<6912x128xf32, #tpu.memory_space<vmem_shared>>
        tpu.wait_indirect_dma semaphore(%run_scoped3A : memref<!tpu.dma_semaphore, #tpu.memory_space<semaphore_mem>>) src(%arg12 : memref<128x128xf32, #tpu.memory_space<vmem>>) dst(%dma_wait3A_319 : memref<6912x128xf32, #tpu.memory_space<vmem_shared>>)
        tpu.yield
      }) : () -> ()
      %add3A_284 = arith.constant 2 : i32
      %add3A_285 = arith.addi %add3A_251, %add3A_284 : i32
      %jit3A_286 = arith.constant 160 : i32
      %eq3A_287 = arith.constant 0 : i32
      %eq3A_288 = arith.cmpi eq, %jit3A_286, %eq3A_287 : i32
      %jit3A_289 = arith.constant 1 : i32
      %select_n3A_290 = arith.select %eq3A_288, %jit3A_289, %jit3A_286 : i32
      %rem3A_291 = arith.remsi %add3A_285, %select_n3A_290 : i32
      %ne3A_292 = arith.constant 0 : i32
      %ne3A_293 = arith.cmpi ne, %rem3A_291, %ne3A_292 : i32
      %lt3A_294 = arith.constant 0 : i32
      %lt3A_295 = arith.cmpi slt, %rem3A_291, %lt3A_294 : i32
      %lt3A_296 = arith.constant 0 : i32
      %lt3A_297 = arith.cmpi slt, %select_n3A_290, %lt3A_296 : i32
      %ne3A_298 = arith.xori %lt3A_295, %lt3A_297 : i1
      %and3A_299 = arith.andi %ne3A_298, %ne3A_293 : i1
      %add3A_300 = arith.addi %rem3A_291, %select_n3A_290 : i32
      %select_n3A_301 = arith.select %and3A_299, %add3A_300, %rem3A_291 : i32
      %dma_start3A_302 = arith.constant 0 : i32
      %dma_start3A_303 = tpu.memref_slice %arg9[%select_n3A_301, %dma_start3A_302] : memref<160x128xi32, #tpu.memory_space<vmem>> -> memref<1x128xi32, #tpu.memory_space<vmem>>
      %dma_start3A_304 = tpu.memref_squeeze %dma_start3A_303 : memref<1x128xi32, #tpu.memory_space<vmem>> -> memref<128xi32, #tpu.memory_space<vmem>>
      %dma_start3A_305 = arith.constant 0 : i32
      %dma_start3A_306 = arith.constant 0 : i32
      %dma_start3A_307 = tpu.memref_slice %arg2[%dma_start3A_305, %dma_start3A_306] : memref<10000x128xf32, #tpu.memory_space<hbm>> -> memref<10000x128xf32, #tpu.memory_space<hbm>>
      tpu.enqueue_indirect_dma source(%dma_start3A_307 : memref<10000x128xf32, #tpu.memory_space<hbm>>) target(%arg12 : memref<128x128xf32, #tpu.memory_space<vmem>>) offsets(%dma_start3A_304 : memref<128xi32, #tpu.memory_space<vmem>>) semaphore(%arg15 : memref<!tpu.dma_semaphore, #tpu.memory_space<semaphore_mem>>)
      "tpu.region"() ({
        %run_scoped3A = tpu.sem_alloc : memref<!tpu.dma_semaphore, #tpu.memory_space<semaphore_mem>>
        %dma_start3A_308 = arith.constant 0 : i32
        %dma_start3A_309 = tpu.memref_slice %arg10[%add3A_251, %dma_start3A_308] : memref<160x128xi32, #tpu.memory_space<vmem>> -> memref<1x128xi32, #tpu.memory_space<vmem>>
        %dma_start3A_310 = tpu.memref_squeeze %dma_start3A_309 : memref<1x128xi32, #tpu.memory_space<vmem>> -> memref<128xi32, #tpu.memory_space<vmem>>
        %dma_start3A_311 = arith.constant 0 : i32
        %dma_start3A_312 = tpu.memref_slice %arg18[%dma_start3A_311] : memref<6912xf32, #tpu.memory_space<vmem_shared>> -> memref<6912xf32, #tpu.memory_space<vmem_shared>>
        tpu.enqueue_indirect_dma source(%arg16 : memref<128xf32, #tpu.memory_space<vmem>>) target(%dma_start3A_312 : memref<6912xf32, #tpu.memory_space<vmem_shared>>) offsets(%dma_start3A_310 : memref<128xi32, #tpu.memory_space<vmem>>) semaphore(%run_scoped3A : memref<!tpu.dma_semaphore, #tpu.memory_space<semaphore_mem>>) {add = true}
        %dma_wait3A_313 = arith.constant 0 : i32
        %dma_wait3A_314 = tpu.memref_slice %arg10[%add3A_251, %dma_wait3A_313] : memref<160x128xi32, #tpu.memory_space<vmem>> -> memref<1x128xi32, #tpu.memory_space<vmem>>
        %dma_wait3A_315 = tpu.memref_squeeze %dma_wait3A_314 : memref<1x128xi32, #tpu.memory_space<vmem>> -> memref<128xi32, #tpu.memory_space<vmem>>
        %dma_wait3A_316 = arith.constant 0 : i32
        %dma_wait3A_317 = tpu.memref_slice %arg18[%dma_wait3A_316] : memref<6912xf32, #tpu.memory_space<vmem_shared>> -> memref<6912xf32, #tpu.memory_space<vmem_shared>>
        tpu.wait_indirect_dma semaphore(%run_scoped3A : memref<!tpu.dma_semaphore, #tpu.memory_space<semaphore_mem>>) src(%arg16 : memref<128xf32, #tpu.memory_space<vmem>>) dst(%dma_wait3A_317 : memref<6912xf32, #tpu.memory_space<vmem_shared>>)
        tpu.yield
      }) : () -> ()
    }
    %scan3A_226 = arith.constant 80 : i32
    %dma_wait3A = arith.constant 0 : i32
    %dma_wait3A_227 = arith.constant 0 : i32
    %dma_wait3A_228 = tpu.memref_slice %arg9[%dma_wait3A, %dma_wait3A_227] : memref<160x128xi32, #tpu.memory_space<vmem>> -> memref<1x128xi32, #tpu.memory_space<vmem>>
    %dma_wait3A_229 = tpu.memref_squeeze %dma_wait3A_228 : memref<1x128xi32, #tpu.memory_space<vmem>> -> memref<128xi32, #tpu.memory_space<vmem>>
    %dma_wait3A_230 = arith.constant 0 : i32
    %dma_wait3A_231 = arith.constant 0 : i32
    %dma_wait3A_232 = tpu.memref_slice %arg2[%dma_wait3A_230, %dma_wait3A_231] : memref<10000x128xf32, #tpu.memory_space<hbm>> -> memref<10000x128xf32, #tpu.memory_space<hbm>>
    tpu.wait_indirect_dma semaphore(%arg14 : memref<!tpu.dma_semaphore, #tpu.memory_space<semaphore_mem>>) src(%dma_wait3A_232 : memref<10000x128xf32, #tpu.memory_space<hbm>>) dst(%arg11 : memref<128x128xf32, #tpu.memory_space<vmem>>)
    %dma_wait3A_233 = arith.constant 0 : i32
    %dma_wait3A_234 = arith.constant 0 : i32
    %dma_wait3A_235 = tpu.memref_slice %arg9[%dma_wait3A_233, %dma_wait3A_234] : memref<160x128xi32, #tpu.memory_space<vmem>> -> memref<1x128xi32, #tpu.memory_space<vmem>>
    %dma_wait3A_236 = tpu.memref_squeeze %dma_wait3A_235 : memref<1x128xi32, #tpu.memory_space<vmem>> -> memref<128xi32, #tpu.memory_space<vmem>>
    %dma_wait3A_237 = arith.constant 0 : i32
    %dma_wait3A_238 = arith.constant 0 : i32
    %dma_wait3A_239 = tpu.memref_slice %arg2[%dma_wait3A_237, %dma_wait3A_238] : memref<10000x128xf32, #tpu.memory_space<hbm>> -> memref<10000x128xf32, #tpu.memory_space<hbm>>
    tpu.wait_indirect_dma semaphore(%arg15 : memref<!tpu.dma_semaphore, #tpu.memory_space<semaphore_mem>>) src(%dma_wait3A_239 : memref<10000x128xf32, #tpu.memory_space<hbm>>) dst(%arg12 : memref<128x128xf32, #tpu.memory_space<vmem>>)
    %barrier3A_240 = arith.constant 0 : index
    tpu.barrier barrier_id(%barrier3A_240)
    "tpu.region"() ({
      %run_scoped3A = tpu.sem_alloc : memref<!tpu.dma_semaphore, #tpu.memory_space<semaphore_mem>>
      %dma_start3A_248 = arith.constant 0 : i32
      %dma_start3A_249 = tpu.memref_slice %arg6[%arg0, %mul3A_0, %dma_start3A_248] : memref<2x6912x128xf32, #tpu.memory_space<hbm>> -> memref<1x432x128xf32, #tpu.memory_space<hbm>>
      %dma_start3A_250 = tpu.memref_squeeze %dma_start3A_249 : memref<1x432x128xf32, #tpu.memory_space<hbm>> -> memref<432x128xf32, #tpu.memory_space<hbm>>
      %dma_start3A_251 = arith.constant 0 : i32
      %dma_start3A_252 = tpu.memref_slice %arg13[%mul3A_0, %dma_start3A_251] : memref<6912x128xf32, #tpu.memory_space<vmem_shared>> -> memref<432x128xf32, #tpu.memory_space<vmem_shared>>
      tpu.enqueue_dma source(%dma_start3A_252 : memref<432x128xf32, #tpu.memory_space<vmem_shared>>) target(%dma_start3A_250 : memref<432x128xf32, #tpu.memory_space<hbm>>) target_semaphore(%run_scoped3A : memref<!tpu.dma_semaphore, #tpu.memory_space<semaphore_mem>>)
      %dma_wait3A_253 = arith.constant 0 : i32
      %dma_wait3A_254 = tpu.memref_slice %arg6[%arg0, %mul3A_0, %dma_wait3A_253] : memref<2x6912x128xf32, #tpu.memory_space<hbm>> -> memref<1x432x128xf32, #tpu.memory_space<hbm>>
      %dma_wait3A_255 = tpu.memref_squeeze %dma_wait3A_254 : memref<1x432x128xf32, #tpu.memory_space<hbm>> -> memref<432x128xf32, #tpu.memory_space<hbm>>
      %dma_wait3A_256 = arith.constant 0 : i32
      %dma_wait3A_257 = tpu.memref_slice %arg13[%mul3A_0, %dma_wait3A_256] : memref<6912x128xf32, #tpu.memory_space<vmem_shared>> -> memref<432x128xf32, #tpu.memory_space<vmem_shared>>
      tpu.wait_dma2 semaphore(%run_scoped3A : memref<!tpu.dma_semaphore, #tpu.memory_space<semaphore_mem>>) src(%dma_wait3A_257 : memref<432x128xf32, #tpu.memory_space<vmem_shared>>) dst(%dma_wait3A_255 : memref<432x128xf32, #tpu.memory_space<hbm>>)
      tpu.yield
    }) : () -> ()
    "tpu.region"() ({
      %run_scoped3A = tpu.sem_alloc : memref<!tpu.dma_semaphore, #tpu.memory_space<semaphore_mem>>
      %dma_start3A_248 = tpu.memref_slice %arg18[%mul3A_0] : memref<6912xf32, #tpu.memory_space<vmem_shared>> -> memref<432xf32, #tpu.memory_space<vmem_shared>>
      %dma_start3A_249 = tpu.memref_slice %arg18[%mul3A_0] : memref<6912xf32, #tpu.memory_space<vmem_shared>> -> memref<432xf32, #tpu.memory_space<vmem_shared>>
      tpu.enqueue_dma source(%dma_start3A_249 : memref<432xf32, #tpu.memory_space<vmem_shared>>) target(%arg17 : memref<432xf32, #tpu.memory_space<vmem>>) target_semaphore(%run_scoped3A : memref<!tpu.dma_semaphore, #tpu.memory_space<semaphore_mem>>)
      %dma_wait3A_250 = tpu.memref_slice %arg18[%mul3A_0] : memref<6912xf32, #tpu.memory_space<vmem_shared>> -> memref<432xf32, #tpu.memory_space<vmem_shared>>
      %dma_wait3A_251 = tpu.memref_slice %arg18[%mul3A_0] : memref<6912xf32, #tpu.memory_space<vmem_shared>> -> memref<432xf32, #tpu.memory_space<vmem_shared>>
      tpu.wait_dma2 semaphore(%run_scoped3A : memref<!tpu.dma_semaphore, #tpu.memory_space<semaphore_mem>>) src(%dma_wait3A_251 : memref<432xf32, #tpu.memory_space<vmem_shared>>) dst(%arg17 : memref<432xf32, #tpu.memory_space<vmem>>)
      tpu.yield
    }) : () -> ()
    %eq3A = arith.constant 0 : i32
    %eq3A_241 = arith.cmpi eq, %arg0, %eq3A : i32
    %convert_element_type3A = arith.extui %eq3A_241 : i1 to i32
    %cond3A = arith.constant 0 : i32
    %cond3A_242 = arith.cmpi ne, %convert_element_type3A, %cond3A : i32
    scf.if %cond3A_242 {
      "tpu.region"() ({
        %run_scoped3A = tpu.sem_alloc : memref<!tpu.dma_semaphore, #tpu.memory_space<semaphore_mem>>
        %dma_start3A_248 = tpu.memref_slice %arg7[%mul3A_0] : memref<6912xf32, #tpu.memory_space<hbm>> -> memref<432xf32, #tpu.memory_space<hbm>>
        %dma_start3A_249 = tpu.memref_slice %arg7[%mul3A_0] : memref<6912xf32, #tpu.memory_space<hbm>> -> memref<432xf32, #tpu.memory_space<hbm>>
        tpu.enqueue_dma source(%arg17 : memref<432xf32, #tpu.memory_space<vmem>>) target(%dma_start3A_249 : memref<432xf32, #tpu.memory_space<hbm>>) target_semaphore(%run_scoped3A : memref<!tpu.dma_semaphore, #tpu.memory_space<semaphore_mem>>)
        %dma_wait3A_250 = tpu.memref_slice %arg7[%mul3A_0] : memref<6912xf32, #tpu.memory_space<hbm>> -> memref<432xf32, #tpu.memory_space<hbm>>
        %dma_wait3A_251 = tpu.memref_slice %arg7[%mul3A_0] : memref<6912xf32, #tpu.memory_space<hbm>> -> memref<432xf32, #tpu.memory_space<hbm>>
        tpu.wait_dma2 semaphore(%run_scoped3A : memref<!tpu.dma_semaphore, #tpu.memory_space<semaphore_mem>>) src(%arg17 : memref<432xf32, #tpu.memory_space<vmem>>) dst(%dma_wait3A_251 : memref<432xf32, #tpu.memory_space<hbm>>)
        tpu.yield
      }) : () -> ()
    } else {
    }
    %eq3A_243 = arith.constant 1 : i32
    %eq3A_244 = arith.cmpi eq, %arg0, %eq3A_243 : i32
    %convert_element_type3A_245 = arith.extui %eq3A_244 : i1 to i32
    %cond3A_246 = arith.constant 0 : i32
    %cond3A_247 = arith.cmpi ne, %convert_element_type3A_245, %cond3A_246 : i32
    scf.if %cond3A_247 {
      "tpu.region"() ({
        %run_scoped3A = tpu.sem_alloc : memref<!tpu.dma_semaphore, #tpu.memory_space<semaphore_mem>>
        %dma_start3A_248 = tpu.memref_slice %arg8[%mul3A_0] : memref<6912xf32, #tpu.memory_space<hbm>> -> memref<432xf32, #tpu.memory_space<hbm>>
        %dma_start3A_249 = tpu.memref_slice %arg8[%mul3A_0] : memref<6912xf32, #tpu.memory_space<hbm>> -> memref<432xf32, #tpu.memory_space<hbm>>
        tpu.enqueue_dma source(%arg17 : memref<432xf32, #tpu.memory_space<vmem>>) target(%dma_start3A_249 : memref<432xf32, #tpu.memory_space<hbm>>) target_semaphore(%run_scoped3A : memref<!tpu.dma_semaphore, #tpu.memory_space<semaphore_mem>>)
        %dma_wait3A_250 = tpu.memref_slice %arg8[%mul3A_0] : memref<6912xf32, #tpu.memory_space<hbm>> -> memref<432xf32, #tpu.memory_space<hbm>>
        %dma_wait3A_251 = tpu.memref_slice %arg8[%mul3A_0] : memref<6912xf32, #tpu.memory_space<hbm>> -> memref<432xf32, #tpu.memory_space<hbm>>
        tpu.wait_dma2 semaphore(%run_scoped3A : memref<!tpu.dma_semaphore, #tpu.memory_space<semaphore_mem>>) src(%arg17 : memref<432xf32, #tpu.memory_space<vmem>>) dst(%dma_wait3A_251 : memref<432xf32, #tpu.memory_space<hbm>>)
        tpu.yield
      }) : () -> ()
    } else {
    }
    return
  }
}

#map = affine_map<(d0, d1) -> (0, 0)>
#map1 = affine_map<(d0, d1) -> (0, 0, 0, 0)>
#map2 = affine_map<(d0, d1) -> (0, 0, 0)>
module attributes {stable_mosaic.version = 14 : i64} {
  func.func @body(%arg0: i32, %arg1: i32, %arg2: memref<10000x128xf32, #tpu.memory_space<hbm>>, %arg3: memref<2x16x160x128xi32, #tpu.memory_space<hbm>>, %arg4: memref<2x16x160x128xi32, #tpu.memory_space<hbm>>, %arg5: memref<6912x128xf32, #tpu.memory_space<hbm>>, %arg6: memref<2x6912x128xf32, #tpu.memory_space<hbm>>, %arg7: memref<160x128xi32, #tpu.memory_space<vmem>>, %arg8: memref<160x128xi32, #tpu.memory_space<vmem>>, %arg9: memref<128x128xf32, #tpu.memory_space<vmem>>, %arg10: memref<128x128xf32, #tpu.memory_space<vmem>>, %arg11: memref<6912x128xf32, #tpu.memory_space<vmem_shared>>, %arg12: memref<!tpu.dma_semaphore, #tpu.memory_space<semaphore_mem>>, %arg13: memref<!tpu.dma_semaphore, #tpu.memory_space<semaphore_mem>>) attributes {dimension_semantics = [#tpu.dimension_semantics<core_parallel>, #tpu.dimension_semantics<subcore_parallel>], iteration_bounds = array<i64: 2, 16>, scalar_prefetch = 0 : i64, scratch_operands = 7 : i64, tpu.core_type = #tpu.core_type<sc_vector_subcore>, window_params = [{transform_indices = #map}, {transform_indices = #map1}, {transform_indices = #map1}, {transform_indices = #map}, {transform_indices = #map2}]} {
    %mul3A = arith.constant 432 : i32
    %mul3A_0 = arith.muli %arg1, %mul3A : i32
    "tpu.region"() ({
      %run_scoped3A = tpu.sem_alloc : memref<!tpu.dma_semaphore, #tpu.memory_space<semaphore_mem>>
      %dma_start3A_33 = arith.constant 0 : i32
      %dma_start3A_34 = tpu.memref_slice %arg11[%mul3A_0, %dma_start3A_33] : memref<6912x128xf32, #tpu.memory_space<vmem_shared>> -> memref<432x128xf32, #tpu.memory_space<vmem_shared>>
      %dma_start3A_35 = arith.constant 0 : i32
      %dma_start3A_36 = tpu.memref_slice %arg5[%mul3A_0, %dma_start3A_35] : memref<6912x128xf32, #tpu.memory_space<hbm>> -> memref<432x128xf32, #tpu.memory_space<hbm>>
      tpu.enqueue_dma source(%dma_start3A_36 : memref<432x128xf32, #tpu.memory_space<hbm>>) target(%dma_start3A_34 : memref<432x128xf32, #tpu.memory_space<vmem_shared>>) target_semaphore(%run_scoped3A : memref<!tpu.dma_semaphore, #tpu.memory_space<semaphore_mem>>)
      %dma_wait3A_37 = arith.constant 0 : i32
      %dma_wait3A_38 = tpu.memref_slice %arg11[%mul3A_0, %dma_wait3A_37] : memref<6912x128xf32, #tpu.memory_space<vmem_shared>> -> memref<432x128xf32, #tpu.memory_space<vmem_shared>>
      %dma_wait3A_39 = arith.constant 0 : i32
      %dma_wait3A_40 = tpu.memref_slice %arg5[%mul3A_0, %dma_wait3A_39] : memref<6912x128xf32, #tpu.memory_space<hbm>> -> memref<432x128xf32, #tpu.memory_space<hbm>>
      tpu.wait_dma2 semaphore(%run_scoped3A : memref<!tpu.dma_semaphore, #tpu.memory_space<semaphore_mem>>) src(%dma_wait3A_40 : memref<432x128xf32, #tpu.memory_space<hbm>>) dst(%dma_wait3A_38 : memref<432x128xf32, #tpu.memory_space<vmem_shared>>)
      tpu.yield
    }) : () -> ()
    "tpu.region"() ({
      %run_scoped3A = tpu.sem_alloc : memref<!tpu.dma_semaphore, #tpu.memory_space<semaphore_mem>>
      %dma_start3A_33 = arith.constant 0 : i32
      %dma_start3A_34 = arith.constant 0 : i32
      %dma_start3A_35 = tpu.memref_slice %arg3[%arg0, %arg1, %dma_start3A_33, %dma_start3A_34] : memref<2x16x160x128xi32, #tpu.memory_space<hbm>> -> memref<1x1x160x128xi32, #tpu.memory_space<hbm>>
      %dma_start3A_36 = tpu.memref_squeeze %dma_start3A_35 : memref<1x1x160x128xi32, #tpu.memory_space<hbm>> -> memref<160x128xi32, #tpu.memory_space<hbm>>
      %dma_start3A_37 = arith.constant 0 : i32
      %dma_start3A_38 = arith.constant 0 : i32
      %dma_start3A_39 = tpu.memref_slice %arg3[%arg0, %arg1, %dma_start3A_37, %dma_start3A_38] : memref<2x16x160x128xi32, #tpu.memory_space<hbm>> -> memref<1x1x160x128xi32, #tpu.memory_space<hbm>>
      %dma_start3A_40 = tpu.memref_squeeze %dma_start3A_39 : memref<1x1x160x128xi32, #tpu.memory_space<hbm>> -> memref<160x128xi32, #tpu.memory_space<hbm>>
      tpu.enqueue_dma source(%dma_start3A_40 : memref<160x128xi32, #tpu.memory_space<hbm>>) target(%arg7 : memref<160x128xi32, #tpu.memory_space<vmem>>) target_semaphore(%run_scoped3A : memref<!tpu.dma_semaphore, #tpu.memory_space<semaphore_mem>>)
      %dma_wait3A_41 = arith.constant 0 : i32
      %dma_wait3A_42 = arith.constant 0 : i32
      %dma_wait3A_43 = tpu.memref_slice %arg3[%arg0, %arg1, %dma_wait3A_41, %dma_wait3A_42] : memref<2x16x160x128xi32, #tpu.memory_space<hbm>> -> memref<1x1x160x128xi32, #tpu.memory_space<hbm>>
      %dma_wait3A_44 = tpu.memref_squeeze %dma_wait3A_43 : memref<1x1x160x128xi32, #tpu.memory_space<hbm>> -> memref<160x128xi32, #tpu.memory_space<hbm>>
      %dma_wait3A_45 = arith.constant 0 : i32
      %dma_wait3A_46 = arith.constant 0 : i32
      %dma_wait3A_47 = tpu.memref_slice %arg3[%arg0, %arg1, %dma_wait3A_45, %dma_wait3A_46] : memref<2x16x160x128xi32, #tpu.memory_space<hbm>> -> memref<1x1x160x128xi32, #tpu.memory_space<hbm>>
      %dma_wait3A_48 = tpu.memref_squeeze %dma_wait3A_47 : memref<1x1x160x128xi32, #tpu.memory_space<hbm>> -> memref<160x128xi32, #tpu.memory_space<hbm>>
      tpu.wait_dma2 semaphore(%run_scoped3A : memref<!tpu.dma_semaphore, #tpu.memory_space<semaphore_mem>>) src(%dma_wait3A_48 : memref<160x128xi32, #tpu.memory_space<hbm>>) dst(%arg7 : memref<160x128xi32, #tpu.memory_space<vmem>>)
      tpu.yield
    }) : () -> ()
    "tpu.region"() ({
      %run_scoped3A = tpu.sem_alloc : memref<!tpu.dma_semaphore, #tpu.memory_space<semaphore_mem>>
      %dma_start3A_33 = arith.constant 0 : i32
      %dma_start3A_34 = arith.constant 0 : i32
      %dma_start3A_35 = tpu.memref_slice %arg4[%arg0, %arg1, %dma_start3A_33, %dma_start3A_34] : memref<2x16x160x128xi32, #tpu.memory_space<hbm>> -> memref<1x1x160x128xi32, #tpu.memory_space<hbm>>
      %dma_start3A_36 = tpu.memref_squeeze %dma_start3A_35 : memref<1x1x160x128xi32, #tpu.memory_space<hbm>> -> memref<160x128xi32, #tpu.memory_space<hbm>>
      %dma_start3A_37 = arith.constant 0 : i32
      %dma_start3A_38 = arith.constant 0 : i32
      %dma_start3A_39 = tpu.memref_slice %arg4[%arg0, %arg1, %dma_start3A_37, %dma_start3A_38] : memref<2x16x160x128xi32, #tpu.memory_space<hbm>> -> memref<1x1x160x128xi32, #tpu.memory_space<hbm>>
      %dma_start3A_40 = tpu.memref_squeeze %dma_start3A_39 : memref<1x1x160x128xi32, #tpu.memory_space<hbm>> -> memref<160x128xi32, #tpu.memory_space<hbm>>
      tpu.enqueue_dma source(%dma_start3A_40 : memref<160x128xi32, #tpu.memory_space<hbm>>) target(%arg8 : memref<160x128xi32, #tpu.memory_space<vmem>>) target_semaphore(%run_scoped3A : memref<!tpu.dma_semaphore, #tpu.memory_space<semaphore_mem>>)
      %dma_wait3A_41 = arith.constant 0 : i32
      %dma_wait3A_42 = arith.constant 0 : i32
      %dma_wait3A_43 = tpu.memref_slice %arg4[%arg0, %arg1, %dma_wait3A_41, %dma_wait3A_42] : memref<2x16x160x128xi32, #tpu.memory_space<hbm>> -> memref<1x1x160x128xi32, #tpu.memory_space<hbm>>
      %dma_wait3A_44 = tpu.memref_squeeze %dma_wait3A_43 : memref<1x1x160x128xi32, #tpu.memory_space<hbm>> -> memref<160x128xi32, #tpu.memory_space<hbm>>
      %dma_wait3A_45 = arith.constant 0 : i32
      %dma_wait3A_46 = arith.constant 0 : i32
      %dma_wait3A_47 = tpu.memref_slice %arg4[%arg0, %arg1, %dma_wait3A_45, %dma_wait3A_46] : memref<2x16x160x128xi32, #tpu.memory_space<hbm>> -> memref<1x1x160x128xi32, #tpu.memory_space<hbm>>
      %dma_wait3A_48 = tpu.memref_squeeze %dma_wait3A_47 : memref<1x1x160x128xi32, #tpu.memory_space<hbm>> -> memref<160x128xi32, #tpu.memory_space<hbm>>
      tpu.wait_dma2 semaphore(%run_scoped3A : memref<!tpu.dma_semaphore, #tpu.memory_space<semaphore_mem>>) src(%dma_wait3A_48 : memref<160x128xi32, #tpu.memory_space<hbm>>) dst(%arg8 : memref<160x128xi32, #tpu.memory_space<vmem>>)
      tpu.yield
    }) : () -> ()
    %barrier3A = arith.constant 0 : index
    tpu.barrier barrier_id(%barrier3A)
    %dma_start3A = arith.constant 0 : i32
    %dma_start3A_1 = arith.constant 0 : i32
    %dma_start3A_2 = tpu.memref_slice %arg7[%dma_start3A, %dma_start3A_1] : memref<160x128xi32, #tpu.memory_space<vmem>> -> memref<1x128xi32, #tpu.memory_space<vmem>>
    %dma_start3A_3 = tpu.memref_squeeze %dma_start3A_2 : memref<1x128xi32, #tpu.memory_space<vmem>> -> memref<128xi32, #tpu.memory_space<vmem>>
    %dma_start3A_4 = arith.constant 0 : i32
    %dma_start3A_5 = arith.constant 0 : i32
    %dma_start3A_6 = tpu.memref_slice %arg2[%dma_start3A_4, %dma_start3A_5] : memref<10000x128xf32, #tpu.memory_space<hbm>> -> memref<10000x128xf32, #tpu.memory_space<hbm>>
    tpu.enqueue_indirect_dma source(%dma_start3A_6 : memref<10000x128xf32, #tpu.memory_space<hbm>>) target(%arg9 : memref<128x128xf32, #tpu.memory_space<vmem>>) offsets(%dma_start3A_3 : memref<128xi32, #tpu.memory_space<vmem>>) semaphore(%arg12 : memref<!tpu.dma_semaphore, #tpu.memory_space<semaphore_mem>>)
    %dma_start3A_7 = arith.constant 1 : i32
    %dma_start3A_8 = arith.constant 0 : i32
    %dma_start3A_9 = tpu.memref_slice %arg7[%dma_start3A_7, %dma_start3A_8] : memref<160x128xi32, #tpu.memory_space<vmem>> -> memref<1x128xi32, #tpu.memory_space<vmem>>
    %dma_start3A_10 = tpu.memref_squeeze %dma_start3A_9 : memref<1x128xi32, #tpu.memory_space<vmem>> -> memref<128xi32, #tpu.memory_space<vmem>>
    %dma_start3A_11 = arith.constant 0 : i32
    %dma_start3A_12 = arith.constant 0 : i32
    %dma_start3A_13 = tpu.memref_slice %arg2[%dma_start3A_11, %dma_start3A_12] : memref<10000x128xf32, #tpu.memory_space<hbm>> -> memref<10000x128xf32, #tpu.memory_space<hbm>>
    tpu.enqueue_indirect_dma source(%dma_start3A_13 : memref<10000x128xf32, #tpu.memory_space<hbm>>) target(%arg10 : memref<128x128xf32, #tpu.memory_space<vmem>>) offsets(%dma_start3A_10 : memref<128xi32, #tpu.memory_space<vmem>>) semaphore(%arg13 : memref<!tpu.dma_semaphore, #tpu.memory_space<semaphore_mem>>)
    %scan3A = arith.constant 0 : i32
    %scan3A_14 = arith.constant 0 : i32
    %scan3A_15 = arith.constant 80 : i32
    %scan3A_16 = arith.addi %scan3A_14, %scan3A_15 : i32
    %scan3A_17 = arith.constant 1 : i32
    scf.for %scan3A_33 = %scan3A_14 to %scan3A_16 step %scan3A_17  : i32 {
      %mul3A_34 = arith.constant 2 : i32
      %mul3A_35 = arith.muli %mul3A_34, %scan3A_33 : i32
      %add3A = arith.constant 1 : i32
      %add3A_36 = arith.addi %mul3A_35, %add3A : i32
      %dma_wait3A_37 = arith.constant 0 : i32
      %dma_wait3A_38 = arith.constant 0 : i32
      %dma_wait3A_39 = tpu.memref_slice %arg7[%dma_wait3A_37, %dma_wait3A_38] : memref<160x128xi32, #tpu.memory_space<vmem>> -> memref<1x128xi32, #tpu.memory_space<vmem>>
      %dma_wait3A_40 = tpu.memref_squeeze %dma_wait3A_39 : memref<1x128xi32, #tpu.memory_space<vmem>> -> memref<128xi32, #tpu.memory_space<vmem>>
      %dma_wait3A_41 = arith.constant 0 : i32
      %dma_wait3A_42 = arith.constant 0 : i32
      %dma_wait3A_43 = tpu.memref_slice %arg2[%dma_wait3A_41, %dma_wait3A_42] : memref<10000x128xf32, #tpu.memory_space<hbm>> -> memref<10000x128xf32, #tpu.memory_space<hbm>>
      tpu.wait_indirect_dma semaphore(%arg12 : memref<!tpu.dma_semaphore, #tpu.memory_space<semaphore_mem>>) src(%dma_wait3A_43 : memref<10000x128xf32, #tpu.memory_space<hbm>>) dst(%arg9 : memref<128x128xf32, #tpu.memory_space<vmem>>)
      "tpu.region"() ({
        %run_scoped3A = tpu.sem_alloc : memref<!tpu.dma_semaphore, #tpu.memory_space<semaphore_mem>>
        %dma_start3A_92 = arith.constant 0 : i32
        %dma_start3A_93 = tpu.memref_slice %arg8[%mul3A_35, %dma_start3A_92] : memref<160x128xi32, #tpu.memory_space<vmem>> -> memref<1x128xi32, #tpu.memory_space<vmem>>
        %dma_start3A_94 = tpu.memref_squeeze %dma_start3A_93 : memref<1x128xi32, #tpu.memory_space<vmem>> -> memref<128xi32, #tpu.memory_space<vmem>>
        %dma_start3A_95 = arith.constant 0 : i32
        %dma_start3A_96 = arith.constant 0 : i32
        %dma_start3A_97 = tpu.memref_slice %arg11[%dma_start3A_95, %dma_start3A_96] : memref<6912x128xf32, #tpu.memory_space<vmem_shared>> -> memref<6912x128xf32, #tpu.memory_space<vmem_shared>>
        tpu.enqueue_indirect_dma source(%arg9 : memref<128x128xf32, #tpu.memory_space<vmem>>) target(%dma_start3A_97 : memref<6912x128xf32, #tpu.memory_space<vmem_shared>>) offsets(%dma_start3A_94 : memref<128xi32, #tpu.memory_space<vmem>>) semaphore(%run_scoped3A : memref<!tpu.dma_semaphore, #tpu.memory_space<semaphore_mem>>) {add = true}
        %dma_wait3A_98 = arith.constant 0 : i32
        %dma_wait3A_99 = tpu.memref_slice %arg8[%mul3A_35, %dma_wait3A_98] : memref<160x128xi32, #tpu.memory_space<vmem>> -> memref<1x128xi32, #tpu.memory_space<vmem>>
        %dma_wait3A_100 = tpu.memref_squeeze %dma_wait3A_99 : memref<1x128xi32, #tpu.memory_space<vmem>> -> memref<128xi32, #tpu.memory_space<vmem>>
        %dma_wait3A_101 = arith.constant 0 : i32
        %dma_wait3A_102 = arith.constant 0 : i32
        %dma_wait3A_103 = tpu.memref_slice %arg11[%dma_wait3A_101, %dma_wait3A_102] : memref<6912x128xf32, #tpu.memory_space<vmem_shared>> -> memref<6912x128xf32, #tpu.memory_space<vmem_shared>>
        tpu.wait_indirect_dma semaphore(%run_scoped3A : memref<!tpu.dma_semaphore, #tpu.memory_space<semaphore_mem>>) src(%arg9 : memref<128x128xf32, #tpu.memory_space<vmem>>) dst(%dma_wait3A_103 : memref<6912x128xf32, #tpu.memory_space<vmem_shared>>)
        tpu.yield
      }) : () -> ()
      %add3A_44 = arith.constant 2 : i32
      %add3A_45 = arith.addi %mul3A_35, %add3A_44 : i32
      %jit3A = arith.constant 160 : i32
      %eq3A = arith.constant 0 : i32
      %eq3A_46 = arith.cmpi eq, %jit3A, %eq3A : i32
      %jit3A_47 = arith.constant 1 : i32
      %select_n3A = arith.select %eq3A_46, %jit3A_47, %jit3A : i32
      %rem3A = arith.remsi %add3A_45, %select_n3A : i32
      %ne3A = arith.constant 0 : i32
      %ne3A_48 = arith.cmpi ne, %rem3A, %ne3A : i32
      %lt3A = arith.constant 0 : i32
      %lt3A_49 = arith.cmpi slt, %rem3A, %lt3A : i32
      %lt3A_50 = arith.constant 0 : i32
      %lt3A_51 = arith.cmpi slt, %select_n3A, %lt3A_50 : i32
      %ne3A_52 = arith.xori %lt3A_49, %lt3A_51 : i1
      %and3A = arith.andi %ne3A_52, %ne3A_48 : i1
      %add3A_53 = arith.addi %rem3A, %select_n3A : i32
      %select_n3A_54 = arith.select %and3A, %add3A_53, %rem3A : i32
      %dma_start3A_55 = arith.constant 0 : i32
      %dma_start3A_56 = tpu.memref_slice %arg7[%select_n3A_54, %dma_start3A_55] : memref<160x128xi32, #tpu.memory_space<vmem>> -> memref<1x128xi32, #tpu.memory_space<vmem>>
      %dma_start3A_57 = tpu.memref_squeeze %dma_start3A_56 : memref<1x128xi32, #tpu.memory_space<vmem>> -> memref<128xi32, #tpu.memory_space<vmem>>
      %dma_start3A_58 = arith.constant 0 : i32
      %dma_start3A_59 = arith.constant 0 : i32
      %dma_start3A_60 = tpu.memref_slice %arg2[%dma_start3A_58, %dma_start3A_59] : memref<10000x128xf32, #tpu.memory_space<hbm>> -> memref<10000x128xf32, #tpu.memory_space<hbm>>
      tpu.enqueue_indirect_dma source(%dma_start3A_60 : memref<10000x128xf32, #tpu.memory_space<hbm>>) target(%arg9 : memref<128x128xf32, #tpu.memory_space<vmem>>) offsets(%dma_start3A_57 : memref<128xi32, #tpu.memory_space<vmem>>) semaphore(%arg12 : memref<!tpu.dma_semaphore, #tpu.memory_space<semaphore_mem>>)
      %dma_wait3A_61 = arith.constant 0 : i32
      %dma_wait3A_62 = arith.constant 0 : i32
      %dma_wait3A_63 = tpu.memref_slice %arg7[%dma_wait3A_61, %dma_wait3A_62] : memref<160x128xi32, #tpu.memory_space<vmem>> -> memref<1x128xi32, #tpu.memory_space<vmem>>
      %dma_wait3A_64 = tpu.memref_squeeze %dma_wait3A_63 : memref<1x128xi32, #tpu.memory_space<vmem>> -> memref<128xi32, #tpu.memory_space<vmem>>
      %dma_wait3A_65 = arith.constant 0 : i32
      %dma_wait3A_66 = arith.constant 0 : i32
      %dma_wait3A_67 = tpu.memref_slice %arg2[%dma_wait3A_65, %dma_wait3A_66] : memref<10000x128xf32, #tpu.memory_space<hbm>> -> memref<10000x128xf32, #tpu.memory_space<hbm>>
      tpu.wait_indirect_dma semaphore(%arg13 : memref<!tpu.dma_semaphore, #tpu.memory_space<semaphore_mem>>) src(%dma_wait3A_67 : memref<10000x128xf32, #tpu.memory_space<hbm>>) dst(%arg10 : memref<128x128xf32, #tpu.memory_space<vmem>>)
      "tpu.region"() ({
        %run_scoped3A = tpu.sem_alloc : memref<!tpu.dma_semaphore, #tpu.memory_space<semaphore_mem>>
        %dma_start3A_92 = arith.constant 0 : i32
        %dma_start3A_93 = tpu.memref_slice %arg8[%add3A_36, %dma_start3A_92] : memref<160x128xi32, #tpu.memory_space<vmem>> -> memref<1x128xi32, #tpu.memory_space<vmem>>
        %dma_start3A_94 = tpu.memref_squeeze %dma_start3A_93 : memref<1x128xi32, #tpu.memory_space<vmem>> -> memref<128xi32, #tpu.memory_space<vmem>>
        %dma_start3A_95 = arith.constant 0 : i32
        %dma_start3A_96 = arith.constant 0 : i32
        %dma_start3A_97 = tpu.memref_slice %arg11[%dma_start3A_95, %dma_start3A_96] : memref<6912x128xf32, #tpu.memory_space<vmem_shared>> -> memref<6912x128xf32, #tpu.memory_space<vmem_shared>>
        tpu.enqueue_indirect_dma source(%arg10 : memref<128x128xf32, #tpu.memory_space<vmem>>) target(%dma_start3A_97 : memref<6912x128xf32, #tpu.memory_space<vmem_shared>>) offsets(%dma_start3A_94 : memref<128xi32, #tpu.memory_space<vmem>>) semaphore(%run_scoped3A : memref<!tpu.dma_semaphore, #tpu.memory_space<semaphore_mem>>) {add = true}
        %dma_wait3A_98 = arith.constant 0 : i32
        %dma_wait3A_99 = tpu.memref_slice %arg8[%add3A_36, %dma_wait3A_98] : memref<160x128xi32, #tpu.memory_space<vmem>> -> memref<1x128xi32, #tpu.memory_space<vmem>>
        %dma_wait3A_100 = tpu.memref_squeeze %dma_wait3A_99 : memref<1x128xi32, #tpu.memory_space<vmem>> -> memref<128xi32, #tpu.memory_space<vmem>>
        %dma_wait3A_101 = arith.constant 0 : i32
        %dma_wait3A_102 = arith.constant 0 : i32
        %dma_wait3A_103 = tpu.memref_slice %arg11[%dma_wait3A_101, %dma_wait3A_102] : memref<6912x128xf32, #tpu.memory_space<vmem_shared>> -> memref<6912x128xf32, #tpu.memory_space<vmem_shared>>
        tpu.wait_indirect_dma semaphore(%run_scoped3A : memref<!tpu.dma_semaphore, #tpu.memory_space<semaphore_mem>>) src(%arg10 : memref<128x128xf32, #tpu.memory_space<vmem>>) dst(%dma_wait3A_103 : memref<6912x128xf32, #tpu.memory_space<vmem_shared>>)
        tpu.yield
      }) : () -> ()
      %add3A_68 = arith.constant 2 : i32
      %add3A_69 = arith.addi %add3A_36, %add3A_68 : i32
      %jit3A_70 = arith.constant 160 : i32
      %eq3A_71 = arith.constant 0 : i32
      %eq3A_72 = arith.cmpi eq, %jit3A_70, %eq3A_71 : i32
      %jit3A_73 = arith.constant 1 : i32
      %select_n3A_74 = arith.select %eq3A_72, %jit3A_73, %jit3A_70 : i32
      %rem3A_75 = arith.remsi %add3A_69, %select_n3A_74 : i32
      %ne3A_76 = arith.constant 0 : i32
      %ne3A_77 = arith.cmpi ne, %rem3A_75, %ne3A_76 : i32
      %lt3A_78 = arith.constant 0 : i32
      %lt3A_79 = arith.cmpi slt, %rem3A_75, %lt3A_78 : i32
      %lt3A_80 = arith.constant 0 : i32
      %lt3A_81 = arith.cmpi slt, %select_n3A_74, %lt3A_80 : i32
      %ne3A_82 = arith.xori %lt3A_79, %lt3A_81 : i1
      %and3A_83 = arith.andi %ne3A_82, %ne3A_77 : i1
      %add3A_84 = arith.addi %rem3A_75, %select_n3A_74 : i32
      %select_n3A_85 = arith.select %and3A_83, %add3A_84, %rem3A_75 : i32
      %dma_start3A_86 = arith.constant 0 : i32
      %dma_start3A_87 = tpu.memref_slice %arg7[%select_n3A_85, %dma_start3A_86] : memref<160x128xi32, #tpu.memory_space<vmem>> -> memref<1x128xi32, #tpu.memory_space<vmem>>
      %dma_start3A_88 = tpu.memref_squeeze %dma_start3A_87 : memref<1x128xi32, #tpu.memory_space<vmem>> -> memref<128xi32, #tpu.memory_space<vmem>>
      %dma_start3A_89 = arith.constant 0 : i32
      %dma_start3A_90 = arith.constant 0 : i32
      %dma_start3A_91 = tpu.memref_slice %arg2[%dma_start3A_89, %dma_start3A_90] : memref<10000x128xf32, #tpu.memory_space<hbm>> -> memref<10000x128xf32, #tpu.memory_space<hbm>>
      tpu.enqueue_indirect_dma source(%dma_start3A_91 : memref<10000x128xf32, #tpu.memory_space<hbm>>) target(%arg10 : memref<128x128xf32, #tpu.memory_space<vmem>>) offsets(%dma_start3A_88 : memref<128xi32, #tpu.memory_space<vmem>>) semaphore(%arg13 : memref<!tpu.dma_semaphore, #tpu.memory_space<semaphore_mem>>)
    }
    %scan3A_18 = arith.constant 80 : i32
    %dma_wait3A = arith.constant 0 : i32
    %dma_wait3A_19 = arith.constant 0 : i32
    %dma_wait3A_20 = tpu.memref_slice %arg7[%dma_wait3A, %dma_wait3A_19] : memref<160x128xi32, #tpu.memory_space<vmem>> -> memref<1x128xi32, #tpu.memory_space<vmem>>
    %dma_wait3A_21 = tpu.memref_squeeze %dma_wait3A_20 : memref<1x128xi32, #tpu.memory_space<vmem>> -> memref<128xi32, #tpu.memory_space<vmem>>
    %dma_wait3A_22 = arith.constant 0 : i32
    %dma_wait3A_23 = arith.constant 0 : i32
    %dma_wait3A_24 = tpu.memref_slice %arg2[%dma_wait3A_22, %dma_wait3A_23] : memref<10000x128xf32, #tpu.memory_space<hbm>> -> memref<10000x128xf32, #tpu.memory_space<hbm>>
    tpu.wait_indirect_dma semaphore(%arg12 : memref<!tpu.dma_semaphore, #tpu.memory_space<semaphore_mem>>) src(%dma_wait3A_24 : memref<10000x128xf32, #tpu.memory_space<hbm>>) dst(%arg9 : memref<128x128xf32, #tpu.memory_space<vmem>>)
    %dma_wait3A_25 = arith.constant 0 : i32
    %dma_wait3A_26 = arith.constant 0 : i32
    %dma_wait3A_27 = tpu.memref_slice %arg7[%dma_wait3A_25, %dma_wait3A_26] : memref<160x128xi32, #tpu.memory_space<vmem>> -> memref<1x128xi32, #tpu.memory_space<vmem>>
    %dma_wait3A_28 = tpu.memref_squeeze %dma_wait3A_27 : memref<1x128xi32, #tpu.memory_space<vmem>> -> memref<128xi32, #tpu.memory_space<vmem>>
    %dma_wait3A_29 = arith.constant 0 : i32
    %dma_wait3A_30 = arith.constant 0 : i32
    %dma_wait3A_31 = tpu.memref_slice %arg2[%dma_wait3A_29, %dma_wait3A_30] : memref<10000x128xf32, #tpu.memory_space<hbm>> -> memref<10000x128xf32, #tpu.memory_space<hbm>>
    tpu.wait_indirect_dma semaphore(%arg13 : memref<!tpu.dma_semaphore, #tpu.memory_space<semaphore_mem>>) src(%dma_wait3A_31 : memref<10000x128xf32, #tpu.memory_space<hbm>>) dst(%arg10 : memref<128x128xf32, #tpu.memory_space<vmem>>)
    %barrier3A_32 = arith.constant 0 : index
    tpu.barrier barrier_id(%barrier3A_32)
    "tpu.region"() ({
      %run_scoped3A = tpu.sem_alloc : memref<!tpu.dma_semaphore, #tpu.memory_space<semaphore_mem>>
      %dma_start3A_33 = arith.constant 0 : i32
      %dma_start3A_34 = tpu.memref_slice %arg6[%arg0, %mul3A_0, %dma_start3A_33] : memref<2x6912x128xf32, #tpu.memory_space<hbm>> -> memref<1x432x128xf32, #tpu.memory_space<hbm>>
      %dma_start3A_35 = tpu.memref_squeeze %dma_start3A_34 : memref<1x432x128xf32, #tpu.memory_space<hbm>> -> memref<432x128xf32, #tpu.memory_space<hbm>>
      %dma_start3A_36 = arith.constant 0 : i32
      %dma_start3A_37 = tpu.memref_slice %arg11[%mul3A_0, %dma_start3A_36] : memref<6912x128xf32, #tpu.memory_space<vmem_shared>> -> memref<432x128xf32, #tpu.memory_space<vmem_shared>>
      tpu.enqueue_dma source(%dma_start3A_37 : memref<432x128xf32, #tpu.memory_space<vmem_shared>>) target(%dma_start3A_35 : memref<432x128xf32, #tpu.memory_space<hbm>>) target_semaphore(%run_scoped3A : memref<!tpu.dma_semaphore, #tpu.memory_space<semaphore_mem>>)
      %dma_wait3A_38 = arith.constant 0 : i32
      %dma_wait3A_39 = tpu.memref_slice %arg6[%arg0, %mul3A_0, %dma_wait3A_38] : memref<2x6912x128xf32, #tpu.memory_space<hbm>> -> memref<1x432x128xf32, #tpu.memory_space<hbm>>
      %dma_wait3A_40 = tpu.memref_squeeze %dma_wait3A_39 : memref<1x432x128xf32, #tpu.memory_space<hbm>> -> memref<432x128xf32, #tpu.memory_space<hbm>>
      %dma_wait3A_41 = arith.constant 0 : i32
      %dma_wait3A_42 = tpu.memref_slice %arg11[%mul3A_0, %dma_wait3A_41] : memref<6912x128xf32, #tpu.memory_space<vmem_shared>> -> memref<432x128xf32, #tpu.memory_space<vmem_shared>>
      tpu.wait_dma2 semaphore(%run_scoped3A : memref<!tpu.dma_semaphore, #tpu.memory_space<semaphore_mem>>) src(%dma_wait3A_42 : memref<432x128xf32, #tpu.memory_space<vmem_shared>>) dst(%dma_wait3A_40 : memref<432x128xf32, #tpu.memory_space<hbm>>)
      tpu.yield
    }) : () -> ()
    return
  }
}

module attributes {stable_mosaic.version = 14 : i64} {
  func.func @body(%arg0: i32, %arg1: memref<1x1000x128xf32, #tpu.memory_space<vmem>>, %arg2: memref<1x1000x1xf32, #tpu.memory_space<vmem>>, %arg3: memref<1000x128xf32, #tpu.memory_space<vmem>>, %arg4: memref<128x128xf32, #tpu.memory_space<vmem>>, %arg5: memref<1x128xf32, #tpu.memory_space<vmem>>, %arg6: memref<128x128xf32, #tpu.memory_space<vmem>>, %arg7: memref<1000x128xf32, #tpu.memory_space<vmem>>) attributes {dimension_semantics = [#tpu.dimension_semantics<arbitrary>], iteration_bounds = array<i64: 10>, scalar_prefetch = 0 : i64, scratch_operands = 0 : i64, tpu.core_type = #tpu.core_type<tc>, window_params = [{transform_indices = @transform_0, window_bounds = array<i64: 1, 1000, 128>}, {transform_indices = @transform_1, window_bounds = array<i64: 1, 1000, 1>}, {transform_indices = @transform_2, window_bounds = array<i64: 1000, 128>}, {pipeline_mode = #tpu.pipeline_mode<synchronous>, transform_indices = @transform_3, window_bounds = array<i64: 128, 128>}, {pipeline_mode = #tpu.pipeline_mode<synchronous>, transform_indices = @transform_4, window_bounds = array<i64: 1, 128>}, {pipeline_mode = #tpu.pipeline_mode<synchronous>, transform_indices = @transform_5, window_bounds = array<i64: 128, 128>}, {transform_indices = @transform_6, window_bounds = array<i64: 1000, 128>}]} {
    %get3A = arith.constant 0 : index
    %get3A_0 = arith.constant 0 : index
    %get3A_1 = arith.constant 0 : index
    %get3A_2 = vector.load %arg1[%get3A, %get3A_0, %get3A_1] : memref<1x1000x128xf32, #tpu.memory_space<vmem>>, vector<1x1000x128xf32>
    %get3A_3 = vector.shape_cast %get3A_2 : vector<1x1000x128xf32> to vector<1000x128xf32>
    %get3A_4 = arith.constant 0 : index
    %get3A_5 = arith.constant 0 : index
    %get3A_6 = arith.constant 0 : index
    %get3A_7 = vector.load %arg2[%get3A_4, %get3A_5, %get3A_6] : memref<1x1000x1xf32, #tpu.memory_space<vmem>>, vector<1x1000x1xf32>
    %get3A_8 = vector.shape_cast %get3A_7 : vector<1x1000x1xf32> to vector<1000x1xf32>
    %max3A = arith.constant 1.000000e+00 : f32
    %max3A_9 = vector.broadcast %max3A : f32 to vector<1000x1xf32>
    %max3A_10 = arith.maximumf %get3A_8, %max3A_9 : vector<1000x1xf32>
    %div3A = arith.constant 1.000000e+00 : f32
    %div3A_11 = vector.broadcast %div3A : f32 to vector<1000x1xf32>
    %div3A_12 = arith.divf %div3A_11, %max3A_10 : vector<1000x1xf32>
    %get3A_13 = arith.constant 0 : index
    %get3A_14 = arith.constant 0 : index
    %get3A_15 = vector.load %arg4[%get3A_13, %get3A_14] : memref<128x128xf32, #tpu.memory_space<vmem>>, vector<128x128xf32>
    %dot_general3A = arith.constant dense<0.000000e+00> : vector<1000x128xf32>
    %dot_general3A_16 = tpu.matmul %get3A_3, %get3A_15, %dot_general3A {dimension_numbers = #tpu.dot_dimension_numbers<[1], [0], [0], [1], [0, 0, 1, 1], [], []>, transpose_lhs_hint = false} : vector<1000x128xf32>, vector<128x128xf32>, vector<1000x128xf32> -> vector<1000x128xf32>
    %mul3A = vector.broadcast %div3A_12 : vector<1000x1xf32> to vector<1000x128xf32>
    %mul3A_17 = arith.mulf %dot_general3A_16, %mul3A : vector<1000x128xf32>
    %get3A_18 = arith.constant 0 : index
    %get3A_19 = arith.constant 0 : index
    %get3A_20 = vector.load %arg5[%get3A_18, %get3A_19] : memref<1x128xf32, #tpu.memory_space<vmem>>, vector<1x128xf32>
    %add3A = vector.broadcast %get3A_20 : vector<1x128xf32> to vector<1000x128xf32>
    %add3A_21 = arith.addf %mul3A_17, %add3A : vector<1000x128xf32>
    %get3A_22 = arith.constant 0 : index
    %get3A_23 = arith.constant 0 : index
    %get3A_24 = vector.load %arg3[%get3A_22, %get3A_23] : memref<1000x128xf32, #tpu.memory_space<vmem>>, vector<1000x128xf32>
    %get3A_25 = arith.constant 0 : index
    %get3A_26 = arith.constant 0 : index
    %get3A_27 = vector.load %arg6[%get3A_25, %get3A_26] : memref<128x128xf32, #tpu.memory_space<vmem>>, vector<128x128xf32>
    %dot_general3A_28 = arith.constant dense<0.000000e+00> : vector<1000x128xf32>
    %dot_general3A_29 = tpu.matmul %get3A_24, %get3A_27, %dot_general3A_28 {dimension_numbers = #tpu.dot_dimension_numbers<[1], [0], [0], [1], [0, 0, 1, 1], [], []>, transpose_lhs_hint = false} : vector<1000x128xf32>, vector<128x128xf32>, vector<1000x128xf32> -> vector<1000x128xf32>
    %add3A_30 = arith.addf %add3A_21, %dot_general3A_29 : vector<1000x128xf32>
    %max3A_31 = arith.constant 0.000000e+00 : f32
    %max3A_32 = vector.broadcast %max3A_31 : f32 to vector<1000x128xf32>
    %max3A_33 = arith.maximumf %add3A_30, %max3A_32 : vector<1000x128xf32>
    %swap3A = arith.constant 0 : index
    %swap3A_34 = arith.constant 0 : index
    %swap3A_35 = vector.load %arg7[%swap3A, %swap3A_34] : memref<1000x128xf32, #tpu.memory_space<vmem>>, vector<1000x128xf32>
    tpu.vector_store %arg7[%swap3A, %swap3A_34], %max3A_33 {strides = array<i32>} : memref<1000x128xf32, #tpu.memory_space<vmem>>, vector<1000x128xf32>,
    return
  }
  func.func @transform_0(%arg0: i32) -> (i32, i32, i32) {
    %jit3A = arith.constant 5 : i32
    %div3A = arith.divsi %arg0, %jit3A : i32
    %sign3A = arith.constant 0 : i32
    %sign3A_0 = arith.cmpi sgt, %arg0, %sign3A : i32
    %sign3A_1 = arith.extui %sign3A_0 : i1 to i32
    %sign3A_2 = arith.constant 0 : i32
    %sign3A_3 = arith.cmpi slt, %arg0, %sign3A_2 : i32
    %sign3A_4 = arith.extui %sign3A_3 : i1 to i32
    %sign3A_5 = arith.subi %sign3A_1, %sign3A_4 : i32
    %sign3A_6 = arith.constant 0 : i32
    %sign3A_7 = arith.cmpi sgt, %jit3A, %sign3A_6 : i32
    %sign3A_8 = arith.extui %sign3A_7 : i1 to i32
    %sign3A_9 = arith.constant 0 : i32
    %sign3A_10 = arith.cmpi slt, %jit3A, %sign3A_9 : i32
    %sign3A_11 = arith.extui %sign3A_10 : i1 to i32
    %sign3A_12 = arith.subi %sign3A_8, %sign3A_11 : i32
    %ne3A = arith.cmpi ne, %sign3A_5, %sign3A_12 : i32
    %rem3A = arith.remsi %arg0, %jit3A : i32
    %ne3A_13 = arith.constant 0 : i32
    %ne3A_14 = arith.cmpi ne, %rem3A, %ne3A_13 : i32
    %and3A = arith.andi %ne3A, %ne3A_14 : i1
    %sub3A = arith.constant 1 : i32
    %sub3A_15 = arith.subi %div3A, %sub3A : i32
    %select_n3A = arith.select %and3A, %sub3A_15, %div3A : i32
    %jit3A_16 = arith.constant 5 : i32
    %eq3A = arith.constant 0 : i32
    %eq3A_17 = arith.cmpi eq, %jit3A_16, %eq3A : i32
    %jit3A_18 = arith.constant 1 : i32
    %select_n3A_19 = arith.select %eq3A_17, %jit3A_18, %jit3A_16 : i32
    %rem3A_20 = arith.remsi %arg0, %select_n3A_19 : i32
    %ne3A_21 = arith.constant 0 : i32
    %ne3A_22 = arith.cmpi ne, %rem3A_20, %ne3A_21 : i32
    %lt3A = arith.constant 0 : i32
    %lt3A_23 = arith.cmpi slt, %rem3A_20, %lt3A : i32
    %lt3A_24 = arith.constant 0 : i32
    %lt3A_25 = arith.cmpi slt, %select_n3A_19, %lt3A_24 : i32
    %ne3A_26 = arith.xori %lt3A_23, %lt3A_25 : i1
    %and3A_27 = arith.andi %ne3A_26, %ne3A_22 : i1
    %add3A = arith.addi %rem3A_20, %select_n3A_19 : i32
    %select_n3A_28 = arith.select %and3A_27, %add3A, %rem3A_20 : i32
    %c0_i32 = arith.constant 0 : i32
    %c0_i32_29 = arith.constant 0 : i32
    return %select_n3A, %select_n3A_28, %c0_i32 : i32, i32, i32
  }
  func.func @transform_1(%arg0: i32) -> (i32, i32, i32) {
    %jit3A = arith.constant 5 : i32
    %div3A = arith.divsi %arg0, %jit3A : i32
    %sign3A = arith.constant 0 : i32
    %sign3A_0 = arith.cmpi sgt, %arg0, %sign3A : i32
    %sign3A_1 = arith.extui %sign3A_0 : i1 to i32
    %sign3A_2 = arith.constant 0 : i32
    %sign3A_3 = arith.cmpi slt, %arg0, %sign3A_2 : i32
    %sign3A_4 = arith.extui %sign3A_3 : i1 to i32
    %sign3A_5 = arith.subi %sign3A_1, %sign3A_4 : i32
    %sign3A_6 = arith.constant 0 : i32
    %sign3A_7 = arith.cmpi sgt, %jit3A, %sign3A_6 : i32
    %sign3A_8 = arith.extui %sign3A_7 : i1 to i32
    %sign3A_9 = arith.constant 0 : i32
    %sign3A_10 = arith.cmpi slt, %jit3A, %sign3A_9 : i32
    %sign3A_11 = arith.extui %sign3A_10 : i1 to i32
    %sign3A_12 = arith.subi %sign3A_8, %sign3A_11 : i32
    %ne3A = arith.cmpi ne, %sign3A_5, %sign3A_12 : i32
    %rem3A = arith.remsi %arg0, %jit3A : i32
    %ne3A_13 = arith.constant 0 : i32
    %ne3A_14 = arith.cmpi ne, %rem3A, %ne3A_13 : i32
    %and3A = arith.andi %ne3A, %ne3A_14 : i1
    %sub3A = arith.constant 1 : i32
    %sub3A_15 = arith.subi %div3A, %sub3A : i32
    %select_n3A = arith.select %and3A, %sub3A_15, %div3A : i32
    %jit3A_16 = arith.constant 5 : i32
    %eq3A = arith.constant 0 : i32
    %eq3A_17 = arith.cmpi eq, %jit3A_16, %eq3A : i32
    %jit3A_18 = arith.constant 1 : i32
    %select_n3A_19 = arith.select %eq3A_17, %jit3A_18, %jit3A_16 : i32
    %rem3A_20 = arith.remsi %arg0, %select_n3A_19 : i32
    %ne3A_21 = arith.constant 0 : i32
    %ne3A_22 = arith.cmpi ne, %rem3A_20, %ne3A_21 : i32
    %lt3A = arith.constant 0 : i32
    %lt3A_23 = arith.cmpi slt, %rem3A_20, %lt3A : i32
    %lt3A_24 = arith.constant 0 : i32
    %lt3A_25 = arith.cmpi slt, %select_n3A_19, %lt3A_24 : i32
    %ne3A_26 = arith.xori %lt3A_23, %lt3A_25 : i1
    %and3A_27 = arith.andi %ne3A_26, %ne3A_22 : i1
    %add3A = arith.addi %rem3A_20, %select_n3A_19 : i32
    %select_n3A_28 = arith.select %and3A_27, %add3A, %rem3A_20 : i32
    %c0_i32 = arith.constant 0 : i32
    %c0_i32_29 = arith.constant 0 : i32
    return %select_n3A, %select_n3A_28, %c0_i32 : i32, i32, i32
  }
  func.func @transform_2(%arg0: i32) -> (i32, i32) {
    %c0_i32 = arith.constant 0 : i32
    %c0_i32_0 = arith.constant 0 : i32
    return %arg0, %c0_i32 : i32, i32
  }
  func.func @transform_3(%arg0: i32) -> (i32, i32) {
    %c0_i32 = arith.constant 0 : i32
    %c0_i32_0 = arith.constant 0 : i32
    %c0_i32_1 = arith.constant 0 : i32
    return %c0_i32, %c0_i32_0 : i32, i32
  }
  func.func @transform_4(%arg0: i32) -> (i32, i32) {
    %c0_i32 = arith.constant 0 : i32
    %c0_i32_0 = arith.constant 0 : i32
    %c0_i32_1 = arith.constant 0 : i32
    return %c0_i32, %c0_i32_0 : i32, i32
  }
  func.func @transform_5(%arg0: i32) -> (i32, i32) {
    %c0_i32 = arith.constant 0 : i32
    %c0_i32_0 = arith.constant 0 : i32
    %c0_i32_1 = arith.constant 0 : i32
    return %c0_i32, %c0_i32_0 : i32, i32
  }
  func.func @transform_6(%arg0: i32) -> (i32, i32) {
    %c0_i32 = arith.constant 0 : i32
    %c0_i32_0 = arith.constant 0 : i32
    return %arg0, %c0_i32 : i32, i32
  }
}

module attributes {stable_mosaic.version = 14 : i64} {
  func.func @body(%arg0: i32, %arg1: memref<1x1000x128xf32, #tpu.memory_space<vmem>>, %arg2: memref<1x1000x1xf32, #tpu.memory_space<vmem>>, %arg3: memref<1000x128xf32, #tpu.memory_space<vmem>>, %arg4: memref<128x128xf32, #tpu.memory_space<vmem>>, %arg5: memref<1x128xf32, #tpu.memory_space<vmem>>, %arg6: memref<128x128xf32, #tpu.memory_space<vmem>>, %arg7: memref<1000x128xf32, #tpu.memory_space<vmem>>) attributes {dimension_semantics = [#tpu.dimension_semantics<arbitrary>], iteration_bounds = array<i64: 10>, scalar_prefetch = 0 : i64, scratch_operands = 0 : i64, tpu.core_type = #tpu.core_type<tc>, window_params = [{transform_indices = @transform_0, window_bounds = array<i64: 1, 1000, 128>}, {transform_indices = @transform_1, window_bounds = array<i64: 1, 1000, 1>}, {transform_indices = @transform_2, window_bounds = array<i64: 1000, 128>}, {pipeline_mode = #tpu.pipeline_mode<synchronous>, transform_indices = @transform_3, window_bounds = array<i64: 128, 128>}, {pipeline_mode = #tpu.pipeline_mode<synchronous>, transform_indices = @transform_4, window_bounds = array<i64: 1, 128>}, {pipeline_mode = #tpu.pipeline_mode<synchronous>, transform_indices = @transform_5, window_bounds = array<i64: 128, 128>}, {transform_indices = @transform_6, window_bounds = array<i64: 1000, 128>}]} {
    %get3A = arith.constant 0 : index
    %get3A_0 = arith.constant 0 : index
    %get3A_1 = arith.constant 0 : index
    %get3A_2 = vector.load %arg1[%get3A, %get3A_0, %get3A_1] : memref<1x1000x128xf32, #tpu.memory_space<vmem>>, vector<1x1000x128xf32>
    %get3A_3 = vector.shape_cast %get3A_2 : vector<1x1000x128xf32> to vector<1000x128xf32>
    %get3A_4 = arith.constant 0 : index
    %get3A_5 = arith.constant 0 : index
    %get3A_6 = arith.constant 0 : index
    %get3A_7 = vector.load %arg2[%get3A_4, %get3A_5, %get3A_6] : memref<1x1000x1xf32, #tpu.memory_space<vmem>>, vector<1x1000x1xf32>
    %get3A_8 = vector.shape_cast %get3A_7 : vector<1x1000x1xf32> to vector<1000x1xf32>
    %max3A = arith.constant 1.000000e+00 : f32
    %max3A_9 = vector.broadcast %max3A : f32 to vector<1000x1xf32>
    %max3A_10 = arith.maximumf %get3A_8, %max3A_9 : vector<1000x1xf32>
    %div3A = arith.constant 1.000000e+00 : f32
    %div3A_11 = vector.broadcast %div3A : f32 to vector<1000x1xf32>
    %div3A_12 = arith.divf %div3A_11, %max3A_10 : vector<1000x1xf32>
    %get3A_13 = arith.constant 0 : index
    %get3A_14 = arith.constant 0 : index
    %get3A_15 = vector.load %arg4[%get3A_13, %get3A_14] : memref<128x128xf32, #tpu.memory_space<vmem>>, vector<128x128xf32>
    %dot_general3A = arith.constant dense<0.000000e+00> : vector<1000x128xf32>
    %dot_general3A_16 = tpu.matmul %get3A_3, %get3A_15, %dot_general3A {dimension_numbers = #tpu.dot_dimension_numbers<[1], [0], [0], [1], [0, 0, 1, 1], [], []>, transpose_lhs_hint = false} : vector<1000x128xf32>, vector<128x128xf32>, vector<1000x128xf32> -> vector<1000x128xf32>
    %mul3A = vector.broadcast %div3A_12 : vector<1000x1xf32> to vector<1000x128xf32>
    %mul3A_17 = arith.mulf %dot_general3A_16, %mul3A : vector<1000x128xf32>
    %get3A_18 = arith.constant 0 : index
    %get3A_19 = arith.constant 0 : index
    %get3A_20 = vector.load %arg5[%get3A_18, %get3A_19] : memref<1x128xf32, #tpu.memory_space<vmem>>, vector<1x128xf32>
    %add3A = vector.broadcast %get3A_20 : vector<1x128xf32> to vector<1000x128xf32>
    %add3A_21 = arith.addf %mul3A_17, %add3A : vector<1000x128xf32>
    %get3A_22 = arith.constant 0 : index
    %get3A_23 = arith.constant 0 : index
    %get3A_24 = vector.load %arg3[%get3A_22, %get3A_23] : memref<1000x128xf32, #tpu.memory_space<vmem>>, vector<1000x128xf32>
    %get3A_25 = arith.constant 0 : index
    %get3A_26 = arith.constant 0 : index
    %get3A_27 = vector.load %arg6[%get3A_25, %get3A_26] : memref<128x128xf32, #tpu.memory_space<vmem>>, vector<128x128xf32>
    %dot_general3A_28 = arith.constant dense<0.000000e+00> : vector<1000x128xf32>
    %dot_general3A_29 = tpu.matmul %get3A_24, %get3A_27, %dot_general3A_28 {dimension_numbers = #tpu.dot_dimension_numbers<[1], [0], [0], [1], [0, 0, 1, 1], [], []>, transpose_lhs_hint = false} : vector<1000x128xf32>, vector<128x128xf32>, vector<1000x128xf32> -> vector<1000x128xf32>
    %add3A_30 = arith.addf %add3A_21, %dot_general3A_29 : vector<1000x128xf32>
    %swap3A = arith.constant 0 : index
    %swap3A_31 = arith.constant 0 : index
    %swap3A_32 = vector.load %arg7[%swap3A, %swap3A_31] : memref<1000x128xf32, #tpu.memory_space<vmem>>, vector<1000x128xf32>
    tpu.vector_store %arg7[%swap3A, %swap3A_31], %add3A_30 {strides = array<i32>} : memref<1000x128xf32, #tpu.memory_space<vmem>>, vector<1000x128xf32>,
    return
  }
  func.func @transform_0(%arg0: i32) -> (i32, i32, i32) {
    %jit3A = arith.constant 5 : i32
    %div3A = arith.divsi %arg0, %jit3A : i32
    %sign3A = arith.constant 0 : i32
    %sign3A_0 = arith.cmpi sgt, %arg0, %sign3A : i32
    %sign3A_1 = arith.extui %sign3A_0 : i1 to i32
    %sign3A_2 = arith.constant 0 : i32
    %sign3A_3 = arith.cmpi slt, %arg0, %sign3A_2 : i32
    %sign3A_4 = arith.extui %sign3A_3 : i1 to i32
    %sign3A_5 = arith.subi %sign3A_1, %sign3A_4 : i32
    %sign3A_6 = arith.constant 0 : i32
    %sign3A_7 = arith.cmpi sgt, %jit3A, %sign3A_6 : i32
    %sign3A_8 = arith.extui %sign3A_7 : i1 to i32
    %sign3A_9 = arith.constant 0 : i32
    %sign3A_10 = arith.cmpi slt, %jit3A, %sign3A_9 : i32
    %sign3A_11 = arith.extui %sign3A_10 : i1 to i32
    %sign3A_12 = arith.subi %sign3A_8, %sign3A_11 : i32
    %ne3A = arith.cmpi ne, %sign3A_5, %sign3A_12 : i32
    %rem3A = arith.remsi %arg0, %jit3A : i32
    %ne3A_13 = arith.constant 0 : i32
    %ne3A_14 = arith.cmpi ne, %rem3A, %ne3A_13 : i32
    %and3A = arith.andi %ne3A, %ne3A_14 : i1
    %sub3A = arith.constant 1 : i32
    %sub3A_15 = arith.subi %div3A, %sub3A : i32
    %select_n3A = arith.select %and3A, %sub3A_15, %div3A : i32
    %jit3A_16 = arith.constant 5 : i32
    %eq3A = arith.constant 0 : i32
    %eq3A_17 = arith.cmpi eq, %jit3A_16, %eq3A : i32
    %jit3A_18 = arith.constant 1 : i32
    %select_n3A_19 = arith.select %eq3A_17, %jit3A_18, %jit3A_16 : i32
    %rem3A_20 = arith.remsi %arg0, %select_n3A_19 : i32
    %ne3A_21 = arith.constant 0 : i32
    %ne3A_22 = arith.cmpi ne, %rem3A_20, %ne3A_21 : i32
    %lt3A = arith.constant 0 : i32
    %lt3A_23 = arith.cmpi slt, %rem3A_20, %lt3A : i32
    %lt3A_24 = arith.constant 0 : i32
    %lt3A_25 = arith.cmpi slt, %select_n3A_19, %lt3A_24 : i32
    %ne3A_26 = arith.xori %lt3A_23, %lt3A_25 : i1
    %and3A_27 = arith.andi %ne3A_26, %ne3A_22 : i1
    %add3A = arith.addi %rem3A_20, %select_n3A_19 : i32
    %select_n3A_28 = arith.select %and3A_27, %add3A, %rem3A_20 : i32
    %c0_i32 = arith.constant 0 : i32
    %c0_i32_29 = arith.constant 0 : i32
    return %select_n3A, %select_n3A_28, %c0_i32 : i32, i32, i32
  }
  func.func @transform_1(%arg0: i32) -> (i32, i32, i32) {
    %jit3A = arith.constant 5 : i32
    %div3A = arith.divsi %arg0, %jit3A : i32
    %sign3A = arith.constant 0 : i32
    %sign3A_0 = arith.cmpi sgt, %arg0, %sign3A : i32
    %sign3A_1 = arith.extui %sign3A_0 : i1 to i32
    %sign3A_2 = arith.constant 0 : i32
    %sign3A_3 = arith.cmpi slt, %arg0, %sign3A_2 : i32
    %sign3A_4 = arith.extui %sign3A_3 : i1 to i32
    %sign3A_5 = arith.subi %sign3A_1, %sign3A_4 : i32
    %sign3A_6 = arith.constant 0 : i32
    %sign3A_7 = arith.cmpi sgt, %jit3A, %sign3A_6 : i32
    %sign3A_8 = arith.extui %sign3A_7 : i1 to i32
    %sign3A_9 = arith.constant 0 : i32
    %sign3A_10 = arith.cmpi slt, %jit3A, %sign3A_9 : i32
    %sign3A_11 = arith.extui %sign3A_10 : i1 to i32
    %sign3A_12 = arith.subi %sign3A_8, %sign3A_11 : i32
    %ne3A = arith.cmpi ne, %sign3A_5, %sign3A_12 : i32
    %rem3A = arith.remsi %arg0, %jit3A : i32
    %ne3A_13 = arith.constant 0 : i32
    %ne3A_14 = arith.cmpi ne, %rem3A, %ne3A_13 : i32
    %and3A = arith.andi %ne3A, %ne3A_14 : i1
    %sub3A = arith.constant 1 : i32
    %sub3A_15 = arith.subi %div3A, %sub3A : i32
    %select_n3A = arith.select %and3A, %sub3A_15, %div3A : i32
    %jit3A_16 = arith.constant 5 : i32
    %eq3A = arith.constant 0 : i32
    %eq3A_17 = arith.cmpi eq, %jit3A_16, %eq3A : i32
    %jit3A_18 = arith.constant 1 : i32
    %select_n3A_19 = arith.select %eq3A_17, %jit3A_18, %jit3A_16 : i32
    %rem3A_20 = arith.remsi %arg0, %select_n3A_19 : i32
    %ne3A_21 = arith.constant 0 : i32
    %ne3A_22 = arith.cmpi ne, %rem3A_20, %ne3A_21 : i32
    %lt3A = arith.constant 0 : i32
    %lt3A_23 = arith.cmpi slt, %rem3A_20, %lt3A : i32
    %lt3A_24 = arith.constant 0 : i32
    %lt3A_25 = arith.cmpi slt, %select_n3A_19, %lt3A_24 : i32
    %ne3A_26 = arith.xori %lt3A_23, %lt3A_25 : i1
    %and3A_27 = arith.andi %ne3A_26, %ne3A_22 : i1
    %add3A = arith.addi %rem3A_20, %select_n3A_19 : i32
    %select_n3A_28 = arith.select %and3A_27, %add3A, %rem3A_20 : i32
    %c0_i32 = arith.constant 0 : i32
    %c0_i32_29 = arith.constant 0 : i32
    return %select_n3A, %select_n3A_28, %c0_i32 : i32, i32, i32
  }
  func.func @transform_2(%arg0: i32) -> (i32, i32) {
    %c0_i32 = arith.constant 0 : i32
    %c0_i32_0 = arith.constant 0 : i32
    return %arg0, %c0_i32 : i32, i32
  }
  func.func @transform_3(%arg0: i32) -> (i32, i32) {
    %c0_i32 = arith.constant 0 : i32
    %c0_i32_0 = arith.constant 0 : i32
    %c0_i32_1 = arith.constant 0 : i32
    return %c0_i32, %c0_i32_0 : i32, i32
  }
  func.func @transform_4(%arg0: i32) -> (i32, i32) {
    %c0_i32 = arith.constant 0 : i32
    %c0_i32_0 = arith.constant 0 : i32
    %c0_i32_1 = arith.constant 0 : i32
    return %c0_i32, %c0_i32_0 : i32, i32
  }
  func.func @transform_5(%arg0: i32) -> (i32, i32) {
    %c0_i32 = arith.constant 0 : i32
    %c0_i32_0 = arith.constant 0 : i32
    %c0_i32_1 = arith.constant 0 : i32
    return %c0_i32, %c0_i32_0 : i32, i32
  }
  func.func @transform_6(%arg0: i32) -> (i32, i32) {
    %c0_i32 = arith.constant 0 : i32
    %c0_i32_0 = arith.constant 0 : i32
    return %arg0, %c0_i32 : i32, i32
  }
}

</mosaic_0001>

<sc_bundles>
// kernel: kernel.11.cloned.1.call-start
scs
__scs_entry_jumppad:
0x0: {  	(pc) =	sbr.rel $0x88, $3  }
0x1: {  	(tag) =	ssettag $0x0;
	lr =	simm.s32 $0x1  }
0x2: {  	[smem:$0x3F96] =	sst lr;
	_ =	strace $0xD0000000  }
0x3: {  	_ = 	snop  }
0x4: {  	_ = 	snop  }
0x5: {  	_ = 	snop  }
0x6: {  	_ = 	snop  }
0x7: {  	_ = 	snop  }
__scs_overlays_trampoline_lowered:
0x8: {  	[smem:$0x3FA5] =	sst s0  }
0x9: {  	[smem:$0x3FA6] =	sst s1  }
0xa: {  	[smem:$0x3FA7] =	sst s2  }
0xb: {  	[smem:$0x3FA8] =	sst s3  }
0xc: {  	[smem:$0x3FA9] =	sst s4  }
0xd: {  	[smem:$0x3FAA] =	sst s5  }
0xe: {  	[smem:$0x3FAB] =	sst s6  }
0xf: {  	[smem:$0x3FAC] =	sst s7  }
0x10: {  	[smem:$0x3FAD] =	sst s8  }
0x11: {  	[smem:$0x3FAE] =	sst s9;
	s0 =	simm.s32 @!p0 $0x0  }
0x12: {  	s1 =	sld [smem:$0x3F94];
	s0 =	simm.s32 @p0 $0x1  }
0x13: {  	[smem:$0x3FAF] =	sst s0;
	s0 =	simm.s32 @!p1 $0x0  }
0x14: {  	s2 =	sld [smem:$0x3F93];
	s0 =	simm.s32 @p1 $0x1  }
0x15: {  	[smem:$0x3FB0] =	sst s0;
	s0 =	simm.s32 @!p2 $0x0  }
0x16: {  	s3 =	sld [smem:$0x3FDB];
	s0 =	simm.s32 @p2 $0x1  }
0x17: {  	s4 =	simm.s32 $0x1BF5;
	[smem:$0x3FB2] =	sst s0  }
0x18: {  	s0 =	sld [smem:$0x3F95];
	_ =	swait.ge [sflag:s4], $0x0  }
0x19: {  	s7 =	sld [smem:$0x3F96]  }
0x1a: {  	s8 =	sadd.s32 $0xFFFFE003, lr  }
0x1b: {  	s9 =	sadd.s32 $0xFFFFFEF7, lr;
	s5 =	simm.s32 $0xFFFFFFFF;
	p2 =	slt.u32 s8, $0xFFFFF086  }
0x1c: {  	p1 =	slt.u32 s9, $0xF7A;
	s5 =	simm.s32 @!p2 $0x0  }
0x1d: {  	s5 =	simm.s32 @p1 $0x1;
	p0 =	seq.s32 s7, s2  }
0x1e: {  	s7 =	smul.u32 @!p0 $0xF7A, s2;
	p2 =	seq.s32 @!p0 s5, $0x0  }
0x1f: {  	s9 =	smul.u32 $0xF7A, s1;
	s8 =	simm.s32 @!p0 $0x1BF5;
	p2 =	por !p2, p0  }
0x20: {  	[sflag:s8] =	ssyncset.s32 @!p0 $0xFFFFF086;
	s6 =	sadd.s32 @!p0 s3, s7;
	s7 =	simm.s32 @!p0 $0x108  }
0x21: {  	s3 =	sadd.s32 s3, s9;
	s6 =	sadd.s32 @!p0 $0x88, s6;
	s7 =	simm.s32 @p2 $0x1082  }
0x22: {  	[simem:s7], [sflag:s8] =	dma.local @!p0 [hbm:s6], $0xF7A  }
0x23: {  	s9 =	sor.u32 $0xD0000000, s2;
	s6 =	simm.s32 $0x108;
	_ =	swait.ge @!p0 [sflag:s8], $0x0  }
0x24: {  	s3 =	sadd.s32 $0x88, s3;
	s6 =	simm.s32 @!p1 $0x1082;
	[sflag:s4] =	ssyncset.s32 $0xFFFFF086  }
0x25: {  	[simem:s6], [sflag:s4] =	dma.local [hbm:s3], $0xF7A  }
0x26: {  	[smem:$0x3F96] =	sst s1;
	(tag) =	ssettag s2;
	_ =	strace s9  }
0x27: {  	s1 =	sld [smem:$0x3FA6]  }
0x28: {  	s2 =	sld [smem:$0x3FA7]  }
0x29: {  	s4 =	sld [smem:$0x3FA9]  }
0x2a: {  	p0 =	seq.s32 s5, $0x0;
	s5 =	sld [smem:$0x3FAA]  }
0x2b: {  	s6 =	sld [smem:$0x3FAB]  }
0x2c: {  	s7 =	sld [smem:$0x3FAC]  }
0x2d: {  	s3 =	simm.s32 $0x108;
	s8 =	sld [smem:$0x3FAD]  }
0x2e: {  	s3 =	simm.s32 @!p0 $0x1082;
	s9 =	sld [smem:$0x3FAE]  }
0x2f: {  	lr =	sadd.s32 s0, s3;
	s0 =	sld [smem:$0x3FA5]  }
0x30: {  	s3 =	sld [smem:$0x3FA8]  }
0x31: {  	[smem:$0x3FB1] =	sst s10  }
0x32: {  	s10 =	sld [smem:$0x3FAF];
	_ =	sdelay $0x3  }
0x33: {  	p0 =	seq.s32 s10, $0x1;
	s10 =	sld [smem:$0x3FB1];
	_ =	sdelay $0x3  }
0x34: {  	[smem:$0x3FB1] =	sst s10  }
0x35: {  	s10 =	sld [smem:$0x3FB0];
	_ =	sdelay $0x3  }
0x36: {  	p1 =	seq.s32 s10, $0x1;
	s10 =	sld [smem:$0x3FB1];
	_ =	sdelay $0x3  }
0x37: {  	[smem:$0x3FB1] =	sst s10  }
0x38: {  	s10 =	sld [smem:$0x3FB2]  }
0x39: {  	_ = 	snop;
	(pc) =	sbr.ind lr, $3  }
0x3a: {  	_ = 	snop  }
0x3b: {  	_ = 	snop  }
0x3c: {  	p2 =	seq.s32 s10, $0x1;
	s10 =	sld [smem:$0x3FB1]  }
0x3d: {  	_ =	shalt  }
0x3e: {  	_ =	shalt  }
0x3f: {  	_ =	shalt  }
0x40: {  	_ =	shalt  }
0x41: {  	_ =	shalt  }
0x42: {  	_ =	shalt  }
0x43: {  	_ =	shalt  }
0x44: {  	_ =	shalt  }
0x45: {  	_ =	shalt  }
0x46: {  	_ =	shalt  }
0x47: {  	_ =	shalt  }
0x48: {  	_ =	shalt  }
0x49: {  	_ =	shalt  }
0x4a: {  	_ =	shalt  }
0x4b: {  	_ =	shalt  }
0x4c: {  	_ =	shalt  }
0x4d: {  	_ =	shalt  }
0x4e: {  	_ =	shalt  }
0x4f: {  	_ =	shalt  }
0x50: {  	_ =	shalt  }
0x51: {  	_ =	shalt  }
0x52: {  	_ =	shalt  }
0x53: {  	_ =	shalt  }
0x54: {  	_ =	shalt  }
0x55: {  	_ =	shalt  }
0x56: {  	_ =	shalt  }
0x57: {  	_ =	shalt  }
0x58: {  	_ =	shalt  }
0x59: {  	_ =	shalt  }
0x5a: {  	_ =	shalt  }
0x5b: {  	_ =	shalt  }
0x5c: {  	_ =	shalt  }
0x5d: {  	_ =	shalt  }
0x5e: {  	_ =	shalt  }
0x5f: {  	_ =	shalt  }
0x60: {  	_ =	shalt  }
0x61: {  	_ =	shalt  }
0x62: {  	_ =	shalt  }
0x63: {  	_ =	shalt  }
0x64: {  	_ =	shalt  }
0x65: {  	_ =	shalt  }
0x66: {  	_ =	shalt  }
0x67: {  	_ =	shalt  }
0x68: {  	_ =	shalt  }
0x69: {  	_ =	shalt  }
0x6a: {  	_ =	shalt  }
0x6b: {  	_ =	shalt  }
0x6c: {  	_ =	shalt  }
0x6d: {  	_ =	shalt  }
0x6e: {  	_ =	shalt  }
0x6f: {  	_ =	shalt  }
0x70: {  	_ =	shalt  }
0x71: {  	_ =	shalt  }
0x72: {  	_ =	shalt  }
0x73: {  	_ =	shalt  }
0x74: {  	_ =	shalt  }
0x75: {  	_ =	shalt  }
0x76: {  	_ =	shalt  }
0x77: {  	_ =	shalt  }
0x78: {  	_ =	shalt  }
0x79: {  	_ =	shalt  }
0x7a: {  	_ =	shalt  }
0x7b: {  	_ =	shalt  }
0x7c: {  	_ =	shalt  }
0x7d: {  	_ =	shalt  }
0x7e: {  	_ =	shalt  }
0x7f: {  	_ =	shalt  }
0x80: {  	_ =	shalt  }
0x81: {  	_ =	shalt  }
0x82: {  	_ =	shalt  }
0x83: {  	_ =	shalt  }
0x84: {  	_ =	shalt  }
0x85: {  	_ =	shalt  }
0x86: {  	_ =	shalt  }
0x87: {  	_ =	shalt  }
.Lfunc_end0:
.L_simem_size_0:
called_computation.1_lowered:
.L_overlay_start_0:
0x88: {  	s2 =	sld [smem:$0x3FD9]  }
0x89: {  	s3 =	sld [smem:$0x3FFE];
	_ =	sdelay $0x1  }
0x8a: {  	s1 =	srdreg.scid  }
0x8b: {  	s0 =	sand.u32 $0x1, s1  }
0x8c: {  	s17 =	sshll.u32 s0, $0xA;
	s2 =	sadd.s32 s3, s2  }
0x8d: {  	s2 =	sadd.s32 s2, s17  }
0x8e: {  	[smem:$0x3FBD] =	sst s2  }
0x8f: {  	_ = 	snop  }
0x90: {  	s2 =	sld [smem:$0x3FD0];
	(tm) =	ssettm $0x1  }
0x91: {  	s18 =	sld [smem:$0x3FFB];
	_ =	sdelay $0x3  }
0x92: {  	_ =	strace s18  }
0x93: {  	s3 =	sld [smem:$0x3FFC];
	_ =	sdelay $0x3  }
0x94: {  	_ =	strace s3  }
0x95: {  	s3 =	sld [smem:$0x3FFD];
	_ =	sdelay $0x3  }
0x96: {  	_ =	strace s3  }
0x97: {  	_ =	strace $0x8FFFFFFF  }
0x98: {  	s19 =	sld [smem:$0x3FDB];
	_ =	sdelay $0x1  }
0x99: {  	s4 =	simm.s32 $_scs_section_size  }
0x9a: {  	s5 =	simm.s32 $_size__tile_overlayer_lowered;
	s6 =	simm.s32 $_tile_overlayer_lowered  }
0x9b: {  	s22 =	simm.s32 $0x1BFF;
	s21 =	sshll.u32 s6, $0x1;
	s3 =	sadd.s32 s4, s19  }
0x9c: {  	s7 =	simm.s32 $0x0;
	s20 =	sshll.u32 s5, $0x1;
	s5 =	sadd.s32 s21, s3  }
0x9d: {  	[timem:s7], [sflag:s22] =	dma.local [hbm:s5], s20  }
0x9e: {  	_ =	swait.ge [sflag:s22], s20  }
0x9f: {  	s4 =	ssub.s32 $0x0, s20;
	[sflag:s22] =	ssyncset.done $0x0  }
0xa0: {  	[sflag:s22] =	ssyncadd.s32 s4;
	_ =	sdelay $0x1  }
0xa1: {  	s23 =	simm.s32 $0x1B8B  }
0xa2: {  	_ =	swait.ge [sflag:s23], $0x1  }
0xa3: {  	[sflag:s23] =	ssyncset.done $0x0  }
0xa4: {  	s25 =	simm.s32 $0x1B8E;
	s24 =	sld [smem:$0x3FFE];
	[sflag:s23] =	ssyncadd.s32 $0xFFFFFFFF  }
0xa5: {  	s26 =	simm.s32 $execute0_lowered;
	[smem:$0x3FD2] =	sst s25  }
0xa6: {  	s5 =	sshll.u32 s26, $0x1;
	_ =	strace $0x80000049;
	[dreg:$0x1] =	wrdreg $0xFFFFFFFF  }
0xa7: {  	s28 =	simm.s32 $_size_execute0_lowered;
	s3 =	sadd.s32 s3, s5;
	[dreg:$0x0] =	wrdreg $0x0  }
0xa8: {  	s5 =	sshll.u32 s28, $0x1;
	[dreg:$0x2] =	wrdreg s3  }
0xa9: {  	[dreg:$0x3] =	wrdreg s5  }
0xaa: {  	[dreg:$0x4] =	wrdreg $0xC0  }
0xab: {  	_ =	task [dreg:s7], $0x5FFFF  }
0xac: {  	[dreg:$0x1] =	wrdreg $0xFFFFFFFF  }
0xad: {  	[dreg:$0x0] =	wrdreg $0x60  }
0xae: {  	[dreg:$0x2] =	wrdreg s2  }
0xaf: {  	[dreg:$0x3] =	wrdreg s24  }
0xb0: {  	[dreg:$0x4] =	wrdreg $0x120000  }
0xb1: {  	[dreg:$0x5] =	wrdreg $0x9  }
0xb2: {  	_ =	task.clear_ibuf [dreg:s7], $0x6FFFF;
	_ =	strace $0x90000049  }
0xb3: {  	s29 =	simm.s32 $0x9;
	_ =	strace $0x8000004B  }
0xb4: {  	_ =	swait.ge [sflag:s29], $0x1  }
0xb5: {  	[sflag:s29] =	ssyncadd.s32 $0xFFFFFFFF  }
0xb6: {  	_ =	strace $0x9000004B  }
0xb7: {  	_ =	sfence  }
0xb8: {  	s30 =	sld [smem:$0x0];
	_ =	sdelay $0x2  }
0xb9: {  	s31 =	sshll.u32 s1, $0xD;
	s1 =	sshrl.u32 s1, $0x2  }
0xba: {  	s3 =	sand.u32 $0x4000, s31;
	s1 =	sadd.s32 s1, s30  }
0xbb: {  	s0 =	sor.u32 s3, s0;
	s1 =	sshll.u32 s1, $0x11  }
0xbc: {  	s0 =	sor.u32 s1, s0  }
0xbd: {  	s0 =	sadd.s32 $0x8F2B, s0  }
0xbe: {  	[sflag:s0] =	ssyncadd.remote.s32 $0x1  }
0xbf: {  	_ =	sfence.sel $0xFFFF  }
0xc0: {  	[dreg:$0x0] =	wrdreg $0xFFFFFFFF;
	(pc) =	sbr.abs _section_cstart, $3  }
0xc1: {  	[dreg:$0x1] =	wrdreg $0xFFFFFFFF  }
0xc2: {  	_ =	task.clear_ibuf [dreg:s7], $0x2FFFF;
	_ =	strace $0x9FFFFFFF  }
0xc3: {  	(tm) =	ssettm $0x7FFFFFFF  }
tec
execute0_lowered:
.L_overlay_start_1:
0x0: {  	(tag) =	ssettag $0x1  }
0x1: {  	s1 =	rddreg [dreg:$0x0]  }
0x2: {  	s5 =	rddreg [dreg:$0x1]  }
0x3: {  	s0 =	srdreg.scid;
	s3 =	rddreg [dreg:$0x2]  }
0x4: {  	s2 =	rddreg [dreg:$0x3];
	s4 =	simm.s32 $0x0;
	s14 =	simm.s32 $0x80  }
0x5: {  	s15 =	simm.s32 $0xA000;
	s16 =	simm.s32 $0xE000;
	s6 =	sand.u32 $0x1, s0  }
0x6: {  	s17 =	simm.s32 $0x1;
	s0 =	stileid.u32;
	s7 =	smul.u32 $0x50000, s6  }
0x7: {  	s18 =	simm.s32 $0x2;
	s19 =	simm.s32 $0x9F00;
	s8 =	smul.u32 $0x5000, s0  }
0x8: {  	s20 =	simm.s32 $0x9F80;
	[smem:$0x7FF] =	sst s4;
	s9 =	smul.u32 $0xD800, s0  }
0x9: {  	s21 =	simm.s32 $0x0;
	s25 =	smul.u32 $0xD8000, s6;
	_ =	strace $0x8000004A  }
0xa: {  	s6 =	ssub.s32 $0x2, s6;
	s28 =	smul.u32 $0x36000, s0;
	s31 =	sshll.u32 s0, $0x6  }
0xb: {  	s29 =	sshrl.u32 s6, $0x1;
	s7 =	sadd.s32 s8, s7;
	s26 =	sshrl.u32 s9, $0x3  }
0xc: {  	s8 =	sadd.s32 s9, s25;
	s12 =	ssub.s32 s6, s29;
	s30 =	sshrl.u32 s28, $0x2  }
0xd: {  	s6 =	sor.u32 $0x1C03, s31;
	s7 =	sshrl.u32 s7, $0x3;
	s8 =	sshrl.u32 s8, $0x3  }
0xe: {  	s13 =	sadd.s32 s30, s3;
	s10 =	sadd.s32 s7, s5;
	s7 =	sadd.s32 s26, s5  }
0xf: {  	s11 =	sadd.s32 s8, s5;
	s5 =	sadd.s32 $0x2B600, s7;
	s7 =	sadd.s32 $0x3600, s10  }
0x10: {  	s8 =	sadd.s32 $0x17600, s10;
	s9 =	sadd.s32 $0x46600, s11;
	s10 =	smax.u32 s12, $0x1  }
0x11: {  	s11 =	sshrl.u32 s13, $0x3;
	s12 =	simm.s32 $0x3;
	s13 =	simm.s32 $0x5000  }
.LBB2_1:
0x12: {  	[spmem:s11], [sflag:s6] =	dma.local [hbm:s5], $0x1B00  }
0x13: {  	_ =	swait.ge [sflag:s12], $0x1B00  }
0x14: {  	[sflag:s12] =	ssyncset.done $0x0  }
0x15: {  	[sflag:s12] =	ssyncadd.s32 $0xFFFFE500  }
0x16: {  	[tilespmem:s4], [sflag:$0x3] =	stream.linear.gather [hbm4b:s7+s4], $0x5000, $0x38;
	[tilespmem:$0x1F800] =	vst v63  }
0x17: {  	_ =	swait.ge [sflag:s12], $0x5000  }
0x18: {  	[sflag:s12] =	ssyncset.done $0x0  }
0x19: {  	[sflag:s12] =	ssyncadd.s32 $0xFFFFB000  }
0x1a: {  	[tilespmem:s13], [sflag:$0x3] =	stream.linear.gather [hbm4b:s8+s4], $0x5000, $0x38;
	[tilespmem:$0x1F800] =	vst v63  }
0x1b: {  	_ =	swait.ge [sflag:s12], $0x5000  }
0x1c: {  	[sflag:s12] =	ssyncset.done $0x0  }
0x1d: {  	[sflag:s12] =	ssyncadd.s32 $0xFFFFB000  }
0x1e: {  	[bflag:$0x0] =	sbarrier.arrive $0xFFFF  }
0x1f: {  	[tilespmem:s15], [sflag:$0x1] =	stream.indirect.gather [hbm4b:s1+s14], $0x80, s4, s14, $0xb8;
	[tilespmem:$0x1F800] =	vst v63  }
0x20: {  	_ = 	snop  }
0x21: {  	[tilespmem:s16], [sflag:$0x2] =	stream.indirect.gather [hbm4b:s1+s14], $0x80, s14, s14, $0xb8;
	[tilespmem:$0x1F800] =	vst v63  }
0x22: {  	_ =	swait.ge [sflag:s17], $0x4000  }
0x23: {  	[sflag:s17] =	ssyncset.done $0x0  }
0x24: {  	s22 =	simm.s32 $0x5000;
	[sflag:s17] =	ssyncadd.s32 $0xFFFFC000  }
0x25: {  	[spmem:s3] =	stream.indirect.scatter.add.f32 [tilespmem:s15], [sflag:$0x3], $0x80, s22, s14, $0xb8;
	[tilespmem:$0x1F800] =	vst v63  }
0x26: {  	_ =	swait.ge [sflag:s12], $0x4000  }
0x27: {  	[sflag:s12] =	ssyncset.done $0x0  }
0x28: {  	s30 =	simm.s32 $0x100;
	[sflag:s12] =	ssyncadd.s32 $0xFFFFC000  }
0x29: {  	[tilespmem:s15], [sflag:$0x1] =	stream.indirect.gather [hbm4b:s1+s14], $0x80, s30, s14, $0xb8;
	[tilespmem:$0x1F800] =	vst v63  }
0x2a: {  	_ =	swait.ge [sflag:s18], $0x4000  }
0x2b: {  	[sflag:s18] =	ssyncset.done $0x0  }
0x2c: {  	s31 =	simm.s32 $0x5080;
	[sflag:s18] =	ssyncadd.s32 $0xFFFFC000  }
0x2d: {  	[spmem:s3] =	stream.indirect.scatter.add.f32 [tilespmem:s16], [sflag:$0x3], $0x80, s31, s14, $0xb8;
	[tilespmem:$0x1F800] =	vst v63  }
0x2e: {  	_ =	swait.ge [sflag:s12], $0x4000  }
0x2f: {  	[sflag:s12] =	ssyncset.done $0x0  }
0x30: {  	s23 =	simm.s32 $0x180;
	s22 =	simm.s32 $0x400;
	[sflag:s12] =	ssyncadd.s32 $0xFFFFC000  }
.LBB2_2:
0x31: {  	[tilespmem:s16], [sflag:$0x2] =	stream.indirect.gather [hbm4b:s1+s14], $0x80, s23, s14, $0xb8;
	[tilespmem:$0x1F800] =	vst v63  }
0x32: {  	s23 =	smov.u32 s22  }
0x33: {  	p0 =	sne.s32 s22, $0x13800;
	s22 =	sadd.s32 $0x400, s22;
	_ =	swait.ge [sflag:s17], $0x4000  }
0x34: {  	s23 =	sshra.s32 s23, $0x2;
	[sflag:s17] =	ssyncset.done $0x0  }
0x35: {  	s24 =	sadd.s32 $0x5000, s23;
	[sflag:s17] =	ssyncadd.s32 $0xFFFFC000  }
0x36: {  	[spmem:s3] =	stream.indirect.scatter.add.f32 [tilespmem:s15], [sflag:$0x3], $0x80, s24, s14, $0xb8;
	[tilespmem:$0x1F800] =	vst v63  }
0x37: {  	_ =	swait.ge [sflag:s12], $0x4000  }
0x38: {  	[sflag:s12] =	ssyncset.done $0x0  }
0x39: {  	s24 =	sadd.s32 $0x100, s23;
	[sflag:s12] =	ssyncadd.s32 $0xFFFFC000  }
0x3a: {  	[tilespmem:s15], [sflag:$0x1] =	stream.indirect.gather [hbm4b:s1+s14], $0x80, s24, s14, $0xb8;
	[tilespmem:$0x1F800] =	vst v63  }
0x3b: {  	_ =	swait.ge [sflag:s18], $0x4000  }
0x3c: {  	[sflag:s18] =	ssyncset.done $0x0  }
.Ltmp0:
0x3d: {  	s24 =	sadd.s32 $0x5080, s23;
	[sflag:s18] =	ssyncadd.s32 $0xFFFFC000;
	(pc) =	sbr.rel @p0 .LBB2_2-.Ltmp0, $4  }
0x3e: {  	[spmem:s3] =	stream.indirect.scatter.add.f32 [tilespmem:s16], [sflag:$0x3], $0x80, s24, s14, $0xb8;
	[tilespmem:$0x1F800] =	vst v63  }
0x3f: {  	_ =	swait.ge [sflag:s12], $0x4000  }
0x40: {  	[sflag:s12] =	ssyncset.done $0x0  }
0x41: {  	s23 =	sadd.s32 $0x180, s23;
	[sflag:s12] =	ssyncadd.s32 $0xFFFFC000  }
0x42: {  	[tilespmem:s16], [sflag:$0x2] =	stream.indirect.gather [hbm4b:s1+s14], $0x80, s23, s14, $0xb8;
	[tilespmem:$0x1F800] =	vst v63  }
0x43: {  	_ =	swait.ge [sflag:s17], $0x4000  }
0x44: {  	[sflag:s17] =	ssyncset.done $0x0  }
0x45: {  	[sflag:s17] =	ssyncadd.s32 $0xFFFFC000  }
0x46: {  	[spmem:s3] =	stream.indirect.scatter.add.f32 [tilespmem:s15], [sflag:$0x3], $0x80, s19, s14, $0xb8;
	[tilespmem:$0x1F800] =	vst v63  }
0x47: {  	_ =	swait.ge [sflag:s12], $0x4000  }
0x48: {  	[sflag:s12] =	ssyncset.done $0x0  }
0x49: {  	[sflag:s12] =	ssyncadd.s32 $0xFFFFC000  }
0x4a: {  	[tilespmem:s15], [sflag:$0x1] =	stream.indirect.gather [hbm4b:s1+s14], $0x80, s4, s14, $0xb8;
	[tilespmem:$0x1F800] =	vst v63  }
0x4b: {  	_ =	swait.ge [sflag:s18], $0x4000  }
0x4c: {  	[sflag:s18] =	ssyncset.done $0x0  }
0x4d: {  	[sflag:s18] =	ssyncadd.s32 $0xFFFFC000  }
0x4e: {  	[spmem:s3] =	stream.indirect.scatter.add.f32 [tilespmem:s16], [sflag:$0x3], $0x80, s20, s14, $0xb8;
	[tilespmem:$0x1F800] =	vst v63  }
0x4f: {  	_ =	swait.ge [sflag:s12], $0x4000  }
0x50: {  	[sflag:s12] =	ssyncset.done $0x0  }
0x51: {  	[sflag:s12] =	ssyncadd.s32 $0xFFFFC000  }
0x52: {  	[tilespmem:s16], [sflag:$0x2] =	stream.indirect.gather [hbm4b:s1+s14], $0x80, s14, s14, $0xb8;
	[tilespmem:$0x1F800] =	vst v63  }
0x53: {  	_ =	swait.ge [sflag:s17], $0x4000  }
0x54: {  	[sflag:s17] =	ssyncset.done $0x0  }
0x55: {  	[sflag:s17] =	ssyncadd.s32 $0xFFFFC000  }
0x56: {  	_ =	swait.ge [sflag:s18], $0x4000  }
0x57: {  	s21 =	sadd.s32 $0x1, s21;
	[sflag:s18] =	ssyncset.done $0x0  }
0x58: {  	p0 =	sne.s32 s21, s10;
	[sflag:s18] =	ssyncadd.s32 $0xFFFFC000  }
.Ltmp1:
0x59: {  	[bflag:$0x0] =	sbarrier.arrive $0xFFFF;
	(pc) =	sbr.rel @p0 .LBB2_1-.Ltmp1, $4  }
0x5a: {  	[hbm:s9], [sflag:s6] =	dma.local [spmem:s11], $0x1B00  }
0x5b: {  	_ =	swait.ge [sflag:s12], $0x1B00  }
0x5c: {  	[sflag:s12] =	ssyncset.done $0x0  }
0x5d: {  	[sflag:s12] =	ssyncadd.s32 $0xFFFFE500  }
0x5e: {  	_ =	sfence.sel $0x180000  }
0x5f: {  	[bflag:$0x0] =	sbarrier.arrive $0xFFFF  }
0x60: {  	p0 =	sne.s32 s0, $0x0;
	_ =	strace $0x9000004A  }
0x61: {  	s0 =	sadd.s32 @!p0 $0x100000, s2;
	[bflag:$0x2] =	sbarrier.arrive $0xFFFF  }
0x62: {  	[sflag:s0] =	ssyncadd.tile.s32 @!p0 $0x1;
	_ =	shalt  }
.Lfunc_end2:
_tile_overlayer_lowered:
.L_overlay_start_2:
0x63: {  	(tag) =	ssettag $0x2  }
0x64: {  	s0 =	rddreg [dreg:$0x0];
	s2 =	stileid.u32  }
0x65: {  	s1 =	rddreg [dreg:$0x1];
	p0 =	sne.s32 s2, $0x0  }
0x66: {  	s3 =	rddreg [dreg:$0x2];
	[bflag:$0x3] =	sbarrier.arrive $0xFFFF;
	s2 =	simm.s32 @!p0 $0x1C03  }
0x67: {  	[timem:s3], [sflag:s2] =	dma.local @!p0 [hbm:s0], s1  }
0x68: {  	s0 =	simm.s32 @!p0 $0x3  }
0x69: {  	_ =	swait.ge @!p0 [sflag:s0], s1  }
0x6a: {  	s1 =	ssub.s32 @!p0 $0x0, s1;
	[sflag:s0] =	ssyncset.done @!p0 $0x0  }
0x6b: {  	[sflag:s0] =	ssyncadd.s32 @!p0 s1  }
0x6c: {  	[bflag:$0x3] =	sbarrier.arrive $0xFFFF  }
0x6d: {  	_ =	shalt  }

// kernel: kernel.14.cloned.1.call-start
scs
__scs_entry_jumppad:
0x0: {  	(pc) =	sbr.rel $0x88, $3  }
0x1: {  	(tag) =	ssettag $0x0;
	lr =	simm.s32 $0x1  }
0x2: {  	[smem:$0x3F96] =	sst lr;
	_ =	strace $0xD0000000  }
0x3: {  	_ = 	snop  }
0x4: {  	_ = 	snop  }
0x5: {  	_ = 	snop  }
0x6: {  	_ = 	snop  }
0x7: {  	_ = 	snop  }
__scs_overlays_trampoline_lowered:
0x8: {  	[smem:$0x3FA5] =	sst s0  }
0x9: {  	[smem:$0x3FA6] =	sst s1  }
0xa: {  	[smem:$0x3FA7] =	sst s2  }
0xb: {  	[smem:$0x3FA8] =	sst s3  }
0xc: {  	[smem:$0x3FA9] =	sst s4  }
0xd: {  	[smem:$0x3FAA] =	sst s5  }
0xe: {  	[smem:$0x3FAB] =	sst s6  }
0xf: {  	[smem:$0x3FAC] =	sst s7  }
0x10: {  	[smem:$0x3FAD] =	sst s8  }
0x11: {  	[smem:$0x3FAE] =	sst s9;
	s0 =	simm.s32 @!p0 $0x0  }
0x12: {  	s1 =	sld [smem:$0x3F94];
	s0 =	simm.s32 @p0 $0x1  }
0x13: {  	[smem:$0x3FAF] =	sst s0;
	s0 =	simm.s32 @!p1 $0x0  }
0x14: {  	s2 =	sld [smem:$0x3F93];
	s0 =	simm.s32 @p1 $0x1  }
0x15: {  	[smem:$0x3FB0] =	sst s0;
	s0 =	simm.s32 @!p2 $0x0  }
0x16: {  	s3 =	sld [smem:$0x3FDB];
	s0 =	simm.s32 @p2 $0x1  }
0x17: {  	s4 =	simm.s32 $0x1BF5;
	[smem:$0x3FB2] =	sst s0  }
0x18: {  	s0 =	sld [smem:$0x3F95];
	_ =	swait.ge [sflag:s4], $0x0  }
0x19: {  	s7 =	sld [smem:$0x3F96]  }
0x1a: {  	s8 =	sadd.s32 $0xFFFFE003, lr  }
0x1b: {  	s9 =	sadd.s32 $0xFFFFFEF7, lr;
	s5 =	simm.s32 $0xFFFFFFFF;
	p2 =	slt.u32 s8, $0xFFFFF086  }
0x1c: {  	p1 =	slt.u32 s9, $0xF7A;
	s5 =	simm.s32 @!p2 $0x0  }
0x1d: {  	s5 =	simm.s32 @p1 $0x1;
	p0 =	seq.s32 s7, s2  }
0x1e: {  	s7 =	smul.u32 @!p0 $0xF7A, s2;
	p2 =	seq.s32 @!p0 s5, $0x0  }
0x1f: {  	s9 =	smul.u32 $0xF7A, s1;
	s8 =	simm.s32 @!p0 $0x1BF5;
	p2 =	por !p2, p0  }
0x20: {  	[sflag:s8] =	ssyncset.s32 @!p0 $0xFFFFF086;
	s6 =	sadd.s32 @!p0 s3, s7;
	s7 =	simm.s32 @!p0 $0x108  }
0x21: {  	s3 =	sadd.s32 s3, s9;
	s6 =	sadd.s32 @!p0 $0x88, s6;
	s7 =	simm.s32 @p2 $0x1082  }
0x22: {  	[simem:s7], [sflag:s8] =	dma.local @!p0 [hbm:s6], $0xF7A  }
0x23: {  	s9 =	sor.u32 $0xD0000000, s2;
	s6 =	simm.s32 $0x108;
	_ =	swait.ge @!p0 [sflag:s8], $0x0  }
0x24: {  	s3 =	sadd.s32 $0x88, s3;
	s6 =	simm.s32 @!p1 $0x1082;
	[sflag:s4] =	ssyncset.s32 $0xFFFFF086  }
0x25: {  	[simem:s6], [sflag:s4] =	dma.local [hbm:s3], $0xF7A  }
0x26: {  	[smem:$0x3F96] =	sst s1;
	(tag) =	ssettag s2;
	_ =	strace s9  }
0x27: {  	s1 =	sld [smem:$0x3FA6]  }
0x28: {  	s2 =	sld [smem:$0x3FA7]  }
0x29: {  	s4 =	sld [smem:$0x3FA9]  }
0x2a: {  	p0 =	seq.s32 s5, $0x0;
	s5 =	sld [smem:$0x3FAA]  }
0x2b: {  	s6 =	sld [smem:$0x3FAB]  }
0x2c: {  	s7 =	sld [smem:$0x3FAC]  }
0x2d: {  	s3 =	simm.s32 $0x108;
	s8 =	sld [smem:$0x3FAD]  }
0x2e: {  	s3 =	simm.s32 @!p0 $0x1082;
	s9 =	sld [smem:$0x3FAE]  }
0x2f: {  	lr =	sadd.s32 s0, s3;
	s0 =	sld [smem:$0x3FA5]  }
0x30: {  	s3 =	sld [smem:$0x3FA8]  }
0x31: {  	[smem:$0x3FB1] =	sst s10  }
0x32: {  	s10 =	sld [smem:$0x3FAF];
	_ =	sdelay $0x3  }
0x33: {  	p0 =	seq.s32 s10, $0x1;
	s10 =	sld [smem:$0x3FB1];
	_ =	sdelay $0x3  }
0x34: {  	[smem:$0x3FB1] =	sst s10  }
0x35: {  	s10 =	sld [smem:$0x3FB0];
	_ =	sdelay $0x3  }
0x36: {  	p1 =	seq.s32 s10, $0x1;
	s10 =	sld [smem:$0x3FB1];
	_ =	sdelay $0x3  }
0x37: {  	[smem:$0x3FB1] =	sst s10  }
0x38: {  	s10 =	sld [smem:$0x3FB2]  }
0x39: {  	_ = 	snop;
	(pc) =	sbr.ind lr, $3  }
0x3a: {  	_ = 	snop  }
0x3b: {  	_ = 	snop  }
0x3c: {  	p2 =	seq.s32 s10, $0x1;
	s10 =	sld [smem:$0x3FB1]  }
0x3d: {  	_ =	shalt  }
0x3e: {  	_ =	shalt  }
0x3f: {  	_ =	shalt  }
0x40: {  	_ =	shalt  }
0x41: {  	_ =	shalt  }
0x42: {  	_ =	shalt  }
0x43: {  	_ =	shalt  }
0x44: {  	_ =	shalt  }
0x45: {  	_ =	shalt  }
0x46: {  	_ =	shalt  }
0x47: {  	_ =	shalt  }
0x48: {  	_ =	shalt  }
0x49: {  	_ =	shalt  }
0x4a: {  	_ =	shalt  }
0x4b: {  	_ =	shalt  }
0x4c: {  	_ =	shalt  }
0x4d: {  	_ =	shalt  }
0x4e: {  	_ =	shalt  }
0x4f: {  	_ =	shalt  }
0x50: {  	_ =	shalt  }
0x51: {  	_ =	shalt  }
0x52: {  	_ =	shalt  }
0x53: {  	_ =	shalt  }
0x54: {  	_ =	shalt  }
0x55: {  	_ =	shalt  }
0x56: {  	_ =	shalt  }
0x57: {  	_ =	shalt  }
0x58: {  	_ =	shalt  }
0x59: {  	_ =	shalt  }
0x5a: {  	_ =	shalt  }
0x5b: {  	_ =	shalt  }
0x5c: {  	_ =	shalt  }
0x5d: {  	_ =	shalt  }
0x5e: {  	_ =	shalt  }
0x5f: {  	_ =	shalt  }
0x60: {  	_ =	shalt  }
0x61: {  	_ =	shalt  }
0x62: {  	_ =	shalt  }
0x63: {  	_ =	shalt  }
0x64: {  	_ =	shalt  }
0x65: {  	_ =	shalt  }
0x66: {  	_ =	shalt  }
0x67: {  	_ =	shalt  }
0x68: {  	_ =	shalt  }
0x69: {  	_ =	shalt  }
0x6a: {  	_ =	shalt  }
0x6b: {  	_ =	shalt  }
0x6c: {  	_ =	shalt  }
0x6d: {  	_ =	shalt  }
0x6e: {  	_ =	shalt  }
0x6f: {  	_ =	shalt  }
0x70: {  	_ =	shalt  }
0x71: {  	_ =	shalt  }
0x72: {  	_ =	shalt  }
0x73: {  	_ =	shalt  }
0x74: {  	_ =	shalt  }
0x75: {  	_ =	shalt  }
0x76: {  	_ =	shalt  }
0x77: {  	_ =	shalt  }
0x78: {  	_ =	shalt  }
0x79: {  	_ =	shalt  }
0x7a: {  	_ =	shalt  }
0x7b: {  	_ =	shalt  }
0x7c: {  	_ =	shalt  }
0x7d: {  	_ =	shalt  }
0x7e: {  	_ =	shalt  }
0x7f: {  	_ =	shalt  }
0x80: {  	_ =	shalt  }
0x81: {  	_ =	shalt  }
0x82: {  	_ =	shalt  }
0x83: {  	_ =	shalt  }
0x84: {  	_ =	shalt  }
0x85: {  	_ =	shalt  }
0x86: {  	_ =	shalt  }
0x87: {  	_ =	shalt  }
.Lfunc_end0:
.L_simem_size_0:
called_computation.2_lowered:
.L_overlay_start_0:
0x88: {  	s2 =	sld [smem:$0x3FD9]  }
0x89: {  	s3 =	sld [smem:$0x3FFE];
	_ =	sdelay $0x1  }
0x8a: {  	s1 =	srdreg.scid  }
0x8b: {  	s0 =	sand.u32 $0x1, s1  }
0x8c: {  	s17 =	sshll.u32 s0, $0xA;
	s2 =	sadd.s32 s3, s2  }
0x8d: {  	s2 =	sadd.s32 s2, s17  }
0x8e: {  	[smem:$0x3FBD] =	sst s2  }
0x8f: {  	_ = 	snop  }
0x90: {  	s2 =	sld [smem:$0x3FD0];
	(tm) =	ssettm $0x1  }
0x91: {  	s18 =	sld [smem:$0x3FFB];
	_ =	sdelay $0x3  }
0x92: {  	_ =	strace s18  }
0x93: {  	s3 =	sld [smem:$0x3FFC];
	_ =	sdelay $0x3  }
0x94: {  	_ =	strace s3  }
0x95: {  	s3 =	sld [smem:$0x3FFD];
	_ =	sdelay $0x3  }
0x96: {  	_ =	strace s3  }
0x97: {  	_ =	strace $0x8FFFFFFF  }
0x98: {  	s19 =	sld [smem:$0x3FDB];
	_ =	sdelay $0x1  }
0x99: {  	s4 =	simm.s32 $_scs_section_size  }
0x9a: {  	s5 =	simm.s32 $_size__tile_overlayer_lowered;
	s6 =	simm.s32 $_tile_overlayer_lowered  }
0x9b: {  	s22 =	simm.s32 $0x1BFF;
	s21 =	sshll.u32 s6, $0x1;
	s3 =	sadd.s32 s4, s19  }
0x9c: {  	s7 =	simm.s32 $0x0;
	s20 =	sshll.u32 s5, $0x1;
	s5 =	sadd.s32 s21, s3  }
0x9d: {  	[timem:s7], [sflag:s22] =	dma.local [hbm:s5], s20  }
0x9e: {  	_ =	swait.ge [sflag:s22], s20  }
0x9f: {  	s4 =	ssub.s32 $0x0, s20;
	[sflag:s22] =	ssyncset.done $0x0  }
0xa0: {  	[sflag:s22] =	ssyncadd.s32 s4;
	_ =	sdelay $0x1  }
0xa1: {  	s23 =	simm.s32 $0x1B8B  }
0xa2: {  	_ =	swait.ge [sflag:s23], $0x1  }
0xa3: {  	[sflag:s23] =	ssyncset.done $0x0  }
0xa4: {  	s25 =	simm.s32 $0x1B8E;
	s24 =	sld [smem:$0x3FFE];
	[sflag:s23] =	ssyncadd.s32 $0xFFFFFFFF  }
0xa5: {  	s26 =	simm.s32 $execute0_lowered;
	[smem:$0x3FD2] =	sst s25  }
0xa6: {  	s5 =	sshll.u32 s26, $0x1;
	_ =	strace $0x8000004C;
	[dreg:$0x1] =	wrdreg $0xFFFFFFFF  }
0xa7: {  	s28 =	simm.s32 $_size_execute0_lowered;
	s3 =	sadd.s32 s3, s5;
	[dreg:$0x0] =	wrdreg $0x0  }
0xa8: {  	s5 =	sshll.u32 s28, $0x1;
	[dreg:$0x2] =	wrdreg s3  }
0xa9: {  	[dreg:$0x3] =	wrdreg s5  }
0xaa: {  	[dreg:$0x4] =	wrdreg $0xC0  }
0xab: {  	_ =	task [dreg:s7], $0x5FFFF  }
0xac: {  	[dreg:$0x1] =	wrdreg $0xFFFFFFFF  }
0xad: {  	[dreg:$0x0] =	wrdreg $0x60  }
0xae: {  	[dreg:$0x2] =	wrdreg s2  }
0xaf: {  	[dreg:$0x3] =	wrdreg s24  }
0xb0: {  	[dreg:$0x4] =	wrdreg $0x120000  }
0xb1: {  	[dreg:$0x5] =	wrdreg $0x9  }
0xb2: {  	_ =	task.clear_ibuf [dreg:s7], $0x6FFFF;
	_ =	strace $0x9000004C  }
0xb3: {  	s29 =	simm.s32 $0x9;
	_ =	strace $0x8000004E  }
0xb4: {  	_ =	swait.ge [sflag:s29], $0x1  }
0xb5: {  	[sflag:s29] =	ssyncadd.s32 $0xFFFFFFFF  }
0xb6: {  	_ =	strace $0x9000004E  }
0xb7: {  	_ =	sfence  }
0xb8: {  	s30 =	sld [smem:$0x0];
	_ =	sdelay $0x2  }
0xb9: {  	s31 =	sshll.u32 s1, $0xD;
	s1 =	sshrl.u32 s1, $0x2  }
0xba: {  	s3 =	sand.u32 $0x4000, s31;
	s1 =	sadd.s32 s1, s30  }
0xbb: {  	s0 =	sor.u32 s3, s0;
	s1 =	sshll.u32 s1, $0x11  }
0xbc: {  	s0 =	sor.u32 s1, s0  }
0xbd: {  	s0 =	sadd.s32 $0x8F2B, s0  }
0xbe: {  	[sflag:s0] =	ssyncadd.remote.s32 $0x1  }
0xbf: {  	_ =	sfence.sel $0xFFFF  }
0xc0: {  	[dreg:$0x0] =	wrdreg $0xFFFFFFFF;
	(pc) =	sbr.abs _section_cstart, $3  }
0xc1: {  	[dreg:$0x1] =	wrdreg $0xFFFFFFFF  }
0xc2: {  	_ =	task.clear_ibuf [dreg:s7], $0x2FFFF;
	_ =	strace $0x9FFFFFFF  }
0xc3: {  	(tm) =	ssettm $0x7FFFFFFF  }
tec
execute0_lowered:
.L_overlay_start_1:
0x0: {  	(tag) =	ssettag $0x1  }
0x1: {  	s1 =	rddreg [dreg:$0x0]  }
0x2: {  	s5 =	rddreg [dreg:$0x1]  }
0x3: {  	s0 =	srdreg.scid;
	s3 =	rddreg [dreg:$0x2]  }
0x4: {  	s2 =	rddreg [dreg:$0x3];
	s4 =	simm.s32 $0x0;
	s14 =	simm.s32 $0x80  }
0x5: {  	s15 =	simm.s32 $0xA000;
	s16 =	simm.s32 $0xE000;
	s6 =	sand.u32 $0x1, s0  }
0x6: {  	s17 =	simm.s32 $0x1;
	s0 =	stileid.u32;
	s7 =	smul.u32 $0x50000, s6  }
0x7: {  	s18 =	simm.s32 $0x2;
	s19 =	simm.s32 $0x9F00;
	s8 =	smul.u32 $0x5000, s0  }
0x8: {  	s20 =	simm.s32 $0x9F80;
	[smem:$0x7FF] =	sst s4;
	s9 =	smul.u32 $0xD800, s0  }
0x9: {  	s21 =	simm.s32 $0x0;
	s25 =	smul.u32 $0xD8000, s6;
	_ =	strace $0x8000004D  }
0xa: {  	s6 =	ssub.s32 $0x2, s6;
	s28 =	smul.u32 $0x36000, s0;
	s31 =	sshll.u32 s0, $0x6  }
0xb: {  	s29 =	sshrl.u32 s6, $0x1;
	s7 =	sadd.s32 s8, s7;
	s26 =	sshrl.u32 s9, $0x3  }
0xc: {  	s8 =	sadd.s32 s9, s25;
	s12 =	ssub.s32 s6, s29;
	s30 =	sshrl.u32 s28, $0x2  }
0xd: {  	s6 =	sor.u32 $0x1C03, s31;
	s7 =	sshrl.u32 s7, $0x3;
	s8 =	sshrl.u32 s8, $0x3  }
0xe: {  	s13 =	sadd.s32 s30, s3;
	s10 =	sadd.s32 s7, s5;
	s7 =	sadd.s32 s26, s5  }
0xf: {  	s11 =	sadd.s32 s8, s5;
	s5 =	sadd.s32 $0x2B600, s7;
	s7 =	sadd.s32 $0x3600, s10  }
0x10: {  	s8 =	sadd.s32 $0x17600, s10;
	s9 =	sadd.s32 $0x46600, s11;
	s10 =	smax.u32 s12, $0x1  }
0x11: {  	s11 =	sshrl.u32 s13, $0x3;
	s12 =	simm.s32 $0x3;
	s13 =	simm.s32 $0x5000  }
.LBB2_1:
0x12: {  	[spmem:s11], [sflag:s6] =	dma.local [hbm:s5], $0x1B00  }
0x13: {  	_ =	swait.ge [sflag:s12], $0x1B00  }
0x14: {  	[sflag:s12] =	ssyncset.done $0x0  }
0x15: {  	[sflag:s12] =	ssyncadd.s32 $0xFFFFE500  }
0x16: {  	[tilespmem:s4], [sflag:$0x3] =	stream.linear.gather [hbm4b:s7+s4], $0x5000, $0x38;
	[tilespmem:$0x1F800] =	vst v63  }
0x17: {  	_ =	swait.ge [sflag:s12], $0x5000  }
0x18: {  	[sflag:s12] =	ssyncset.done $0x0  }
0x19: {  	[sflag:s12] =	ssyncadd.s32 $0xFFFFB000  }
0x1a: {  	[tilespmem:s13], [sflag:$0x3] =	stream.linear.gather [hbm4b:s8+s4], $0x5000, $0x38;
	[tilespmem:$0x1F800] =	vst v63  }
0x1b: {  	_ =	swait.ge [sflag:s12], $0x5000  }
0x1c: {  	[sflag:s12] =	ssyncset.done $0x0  }
0x1d: {  	[sflag:s12] =	ssyncadd.s32 $0xFFFFB000  }
0x1e: {  	[bflag:$0x0] =	sbarrier.arrive $0xFFFF  }
0x1f: {  	[tilespmem:s15], [sflag:$0x1] =	stream.indirect.gather [hbm4b:s1+s14], $0x80, s4, s14, $0xb8;
	[tilespmem:$0x1F800] =	vst v63  }
0x20: {  	_ = 	snop  }
0x21: {  	[tilespmem:s16], [sflag:$0x2] =	stream.indirect.gather [hbm4b:s1+s14], $0x80, s14, s14, $0xb8;
	[tilespmem:$0x1F800] =	vst v63  }
0x22: {  	_ =	swait.ge [sflag:s17], $0x4000  }
0x23: {  	[sflag:s17] =	ssyncset.done $0x0  }
0x24: {  	s22 =	simm.s32 $0x5000;
	[sflag:s17] =	ssyncadd.s32 $0xFFFFC000  }
0x25: {  	[spmem:s3] =	stream.indirect.scatter.add.f32 [tilespmem:s15], [sflag:$0x3], $0x80, s22, s14, $0xb8;
	[tilespmem:$0x1F800] =	vst v63  }
0x26: {  	_ =	swait.ge [sflag:s12], $0x4000  }
0x27: {  	[sflag:s12] =	ssyncset.done $0x0  }
0x28: {  	s30 =	simm.s32 $0x100;
	[sflag:s12] =	ssyncadd.s32 $0xFFFFC000  }
0x29: {  	[tilespmem:s15], [sflag:$0x1] =	stream.indirect.gather [hbm4b:s1+s14], $0x80, s30, s14, $0xb8;
	[tilespmem:$0x1F800] =	vst v63  }
0x2a: {  	_ =	swait.ge [sflag:s18], $0x4000  }
0x2b: {  	[sflag:s18] =	ssyncset.done $0x0  }
0x2c: {  	s31 =	simm.s32 $0x5080;
	[sflag:s18] =	ssyncadd.s32 $0xFFFFC000  }
0x2d: {  	[spmem:s3] =	stream.indirect.scatter.add.f32 [tilespmem:s16], [sflag:$0x3], $0x80, s31, s14, $0xb8;
	[tilespmem:$0x1F800] =	vst v63  }
0x2e: {  	_ =	swait.ge [sflag:s12], $0x4000  }
0x2f: {  	[sflag:s12] =	ssyncset.done $0x0  }
0x30: {  	s23 =	simm.s32 $0x180;
	s22 =	simm.s32 $0x400;
	[sflag:s12] =	ssyncadd.s32 $0xFFFFC000  }
.LBB2_2:
0x31: {  	[tilespmem:s16], [sflag:$0x2] =	stream.indirect.gather [hbm4b:s1+s14], $0x80, s23, s14, $0xb8;
	[tilespmem:$0x1F800] =	vst v63  }
0x32: {  	s23 =	smov.u32 s22  }
0x33: {  	p0 =	sne.s32 s22, $0x13800;
	s22 =	sadd.s32 $0x400, s22;
	_ =	swait.ge [sflag:s17], $0x4000  }
0x34: {  	s23 =	sshra.s32 s23, $0x2;
	[sflag:s17] =	ssyncset.done $0x0  }
0x35: {  	s24 =	sadd.s32 $0x5000, s23;
	[sflag:s17] =	ssyncadd.s32 $0xFFFFC000  }
0x36: {  	[spmem:s3] =	stream.indirect.scatter.add.f32 [tilespmem:s15], [sflag:$0x3], $0x80, s24, s14, $0xb8;
	[tilespmem:$0x1F800] =	vst v63  }
0x37: {  	_ =	swait.ge [sflag:s12], $0x4000  }
0x38: {  	[sflag:s12] =	ssyncset.done $0x0  }
0x39: {  	s24 =	sadd.s32 $0x100, s23;
	[sflag:s12] =	ssyncadd.s32 $0xFFFFC000  }
0x3a: {  	[tilespmem:s15], [sflag:$0x1] =	stream.indirect.gather [hbm4b:s1+s14], $0x80, s24, s14, $0xb8;
	[tilespmem:$0x1F800] =	vst v63  }
0x3b: {  	_ =	swait.ge [sflag:s18], $0x4000  }
0x3c: {  	[sflag:s18] =	ssyncset.done $0x0  }
.Ltmp0:
0x3d: {  	s24 =	sadd.s32 $0x5080, s23;
	[sflag:s18] =	ssyncadd.s32 $0xFFFFC000;
	(pc) =	sbr.rel @p0 .LBB2_2-.Ltmp0, $4  }
0x3e: {  	[spmem:s3] =	stream.indirect.scatter.add.f32 [tilespmem:s16], [sflag:$0x3], $0x80, s24, s14, $0xb8;
	[tilespmem:$0x1F800] =	vst v63  }
0x3f: {  	_ =	swait.ge [sflag:s12], $0x4000  }
0x40: {  	[sflag:s12] =	ssyncset.done $0x0  }
0x41: {  	s23 =	sadd.s32 $0x180, s23;
	[sflag:s12] =	ssyncadd.s32 $0xFFFFC000  }
0x42: {  	[tilespmem:s16], [sflag:$0x2] =	stream.indirect.gather [hbm4b:s1+s14], $0x80, s23, s14, $0xb8;
	[tilespmem:$0x1F800] =	vst v63  }
0x43: {  	_ =	swait.ge [sflag:s17], $0x4000  }
0x44: {  	[sflag:s17] =	ssyncset.done $0x0  }
0x45: {  	[sflag:s17] =	ssyncadd.s32 $0xFFFFC000  }
0x46: {  	[spmem:s3] =	stream.indirect.scatter.add.f32 [tilespmem:s15], [sflag:$0x3], $0x80, s19, s14, $0xb8;
	[tilespmem:$0x1F800] =	vst v63  }
0x47: {  	_ =	swait.ge [sflag:s12], $0x4000  }
0x48: {  	[sflag:s12] =	ssyncset.done $0x0  }
0x49: {  	[sflag:s12] =	ssyncadd.s32 $0xFFFFC000  }
0x4a: {  	[tilespmem:s15], [sflag:$0x1] =	stream.indirect.gather [hbm4b:s1+s14], $0x80, s4, s14, $0xb8;
	[tilespmem:$0x1F800] =	vst v63  }
0x4b: {  	_ =	swait.ge [sflag:s18], $0x4000  }
0x4c: {  	[sflag:s18] =	ssyncset.done $0x0  }
0x4d: {  	[sflag:s18] =	ssyncadd.s32 $0xFFFFC000  }
0x4e: {  	[spmem:s3] =	stream.indirect.scatter.add.f32 [tilespmem:s16], [sflag:$0x3], $0x80, s20, s14, $0xb8;
	[tilespmem:$0x1F800] =	vst v63  }
0x4f: {  	_ =	swait.ge [sflag:s12], $0x4000  }
0x50: {  	[sflag:s12] =	ssyncset.done $0x0  }
0x51: {  	[sflag:s12] =	ssyncadd.s32 $0xFFFFC000  }
0x52: {  	[tilespmem:s16], [sflag:$0x2] =	stream.indirect.gather [hbm4b:s1+s14], $0x80, s14, s14, $0xb8;
	[tilespmem:$0x1F800] =	vst v63  }
0x53: {  	_ =	swait.ge [sflag:s17], $0x4000  }
0x54: {  	[sflag:s17] =	ssyncset.done $0x0  }
0x55: {  	[sflag:s17] =	ssyncadd.s32 $0xFFFFC000  }
0x56: {  	_ =	swait.ge [sflag:s18], $0x4000  }
0x57: {  	s21 =	sadd.s32 $0x1, s21;
	[sflag:s18] =	ssyncset.done $0x0  }
0x58: {  	p0 =	sne.s32 s21, s10;
	[sflag:s18] =	ssyncadd.s32 $0xFFFFC000  }
.Ltmp1:
0x59: {  	[bflag:$0x0] =	sbarrier.arrive $0xFFFF;
	(pc) =	sbr.rel @p0 .LBB2_1-.Ltmp1, $4  }
0x5a: {  	[hbm:s9], [sflag:s6] =	dma.local [spmem:s11], $0x1B00  }
0x5b: {  	_ =	swait.ge [sflag:s12], $0x1B00  }
0x5c: {  	[sflag:s12] =	ssyncset.done $0x0  }
0x5d: {  	[sflag:s12] =	ssyncadd.s32 $0xFFFFE500  }
0x5e: {  	_ =	sfence.sel $0x180000  }
0x5f: {  	[bflag:$0x0] =	sbarrier.arrive $0xFFFF  }
0x60: {  	p0 =	sne.s32 s0, $0x0;
	_ =	strace $0x9000004D  }
0x61: {  	s0 =	sadd.s32 @!p0 $0x100000, s2;
	[bflag:$0x2] =	sbarrier.arrive $0xFFFF  }
0x62: {  	[sflag:s0] =	ssyncadd.tile.s32 @!p0 $0x1;
	_ =	shalt  }
.Lfunc_end2:
_tile_overlayer_lowered:
.L_overlay_start_2:
0x63: {  	(tag) =	ssettag $0x2  }
0x64: {  	s0 =	rddreg [dreg:$0x0];
	s2 =	stileid.u32  }
0x65: {  	s1 =	rddreg [dreg:$0x1];
	p0 =	sne.s32 s2, $0x0  }
0x66: {  	s3 =	rddreg [dreg:$0x2];
	[bflag:$0x3] =	sbarrier.arrive $0xFFFF;
	s2 =	simm.s32 @!p0 $0x1C03  }
0x67: {  	[timem:s3], [sflag:s2] =	dma.local @!p0 [hbm:s0], s1  }
0x68: {  	s0 =	simm.s32 @!p0 $0x3  }
0x69: {  	_ =	swait.ge @!p0 [sflag:s0], s1  }
0x6a: {  	s1 =	ssub.s32 @!p0 $0x0, s1;
	[sflag:s0] =	ssyncset.done @!p0 $0x0  }
0x6b: {  	[sflag:s0] =	ssyncadd.s32 @!p0 s1  }
0x6c: {  	[bflag:$0x3] =	sbarrier.arrive $0xFFFF  }
0x6d: {  	_ =	shalt  }

// kernel: kernel.8.cloned.1.call-start
scs
__scs_entry_jumppad:
0x0: {  	(pc) =	sbr.rel $0x88, $3  }
0x1: {  	(tag) =	ssettag $0x0;
	lr =	simm.s32 $0x1  }
0x2: {  	[smem:$0x3F96] =	sst lr;
	_ =	strace $0xD0000000  }
0x3: {  	_ = 	snop  }
0x4: {  	_ = 	snop  }
0x5: {  	_ = 	snop  }
0x6: {  	_ = 	snop  }
0x7: {  	_ = 	snop  }
__scs_overlays_trampoline_lowered:
0x8: {  	[smem:$0x3FA5] =	sst s0  }
0x9: {  	[smem:$0x3FA6] =	sst s1  }
0xa: {  	[smem:$0x3FA7] =	sst s2  }
0xb: {  	[smem:$0x3FA8] =	sst s3  }
0xc: {  	[smem:$0x3FA9] =	sst s4  }
0xd: {  	[smem:$0x3FAA] =	sst s5  }
0xe: {  	[smem:$0x3FAB] =	sst s6  }
0xf: {  	[smem:$0x3FAC] =	sst s7  }
0x10: {  	[smem:$0x3FAD] =	sst s8  }
0x11: {  	[smem:$0x3FAE] =	sst s9;
	s0 =	simm.s32 @!p0 $0x0  }
0x12: {  	s1 =	sld [smem:$0x3F94];
	s0 =	simm.s32 @p0 $0x1  }
0x13: {  	[smem:$0x3FAF] =	sst s0;
	s0 =	simm.s32 @!p1 $0x0  }
0x14: {  	s2 =	sld [smem:$0x3F93];
	s0 =	simm.s32 @p1 $0x1  }
0x15: {  	[smem:$0x3FB0] =	sst s0;
	s0 =	simm.s32 @!p2 $0x0  }
0x16: {  	s3 =	sld [smem:$0x3FDB];
	s0 =	simm.s32 @p2 $0x1  }
0x17: {  	s4 =	simm.s32 $0x1BF5;
	[smem:$0x3FB2] =	sst s0  }
0x18: {  	s0 =	sld [smem:$0x3F95];
	_ =	swait.ge [sflag:s4], $0x0  }
0x19: {  	s7 =	sld [smem:$0x3F96]  }
0x1a: {  	s8 =	sadd.s32 $0xFFFFE003, lr  }
0x1b: {  	s9 =	sadd.s32 $0xFFFFFEF7, lr;
	s5 =	simm.s32 $0xFFFFFFFF;
	p2 =	slt.u32 s8, $0xFFFFF086  }
0x1c: {  	p1 =	slt.u32 s9, $0xF7A;
	s5 =	simm.s32 @!p2 $0x0  }
0x1d: {  	s5 =	simm.s32 @p1 $0x1;
	p0 =	seq.s32 s7, s2  }
0x1e: {  	s7 =	smul.u32 @!p0 $0xF7A, s2;
	p2 =	seq.s32 @!p0 s5, $0x0  }
0x1f: {  	s9 =	smul.u32 $0xF7A, s1;
	s8 =	simm.s32 @!p0 $0x1BF5;
	p2 =	por !p2, p0  }
0x20: {  	[sflag:s8] =	ssyncset.s32 @!p0 $0xFFFFF086;
	s6 =	sadd.s32 @!p0 s3, s7;
	s7 =	simm.s32 @!p0 $0x108  }
0x21: {  	s3 =	sadd.s32 s3, s9;
	s6 =	sadd.s32 @!p0 $0x88, s6;
	s7 =	simm.s32 @p2 $0x1082  }
0x22: {  	[simem:s7], [sflag:s8] =	dma.local @!p0 [hbm:s6], $0xF7A  }
0x23: {  	s9 =	sor.u32 $0xD0000000, s2;
	s6 =	simm.s32 $0x108;
	_ =	swait.ge @!p0 [sflag:s8], $0x0  }
0x24: {  	s3 =	sadd.s32 $0x88, s3;
	s6 =	simm.s32 @!p1 $0x1082;
	[sflag:s4] =	ssyncset.s32 $0xFFFFF086  }
0x25: {  	[simem:s6], [sflag:s4] =	dma.local [hbm:s3], $0xF7A  }
0x26: {  	[smem:$0x3F96] =	sst s1;
	(tag) =	ssettag s2;
	_ =	strace s9  }
0x27: {  	s1 =	sld [smem:$0x3FA6]  }
0x28: {  	s2 =	sld [smem:$0x3FA7]  }
0x29: {  	s4 =	sld [smem:$0x3FA9]  }
0x2a: {  	p0 =	seq.s32 s5, $0x0;
	s5 =	sld [smem:$0x3FAA]  }
0x2b: {  	s6 =	sld [smem:$0x3FAB]  }
0x2c: {  	s7 =	sld [smem:$0x3FAC]  }
0x2d: {  	s3 =	simm.s32 $0x108;
	s8 =	sld [smem:$0x3FAD]  }
0x2e: {  	s3 =	simm.s32 @!p0 $0x1082;
	s9 =	sld [smem:$0x3FAE]  }
0x2f: {  	lr =	sadd.s32 s0, s3;
	s0 =	sld [smem:$0x3FA5]  }
0x30: {  	s3 =	sld [smem:$0x3FA8]  }
0x31: {  	[smem:$0x3FB1] =	sst s10  }
0x32: {  	s10 =	sld [smem:$0x3FAF];
	_ =	sdelay $0x3  }
0x33: {  	p0 =	seq.s32 s10, $0x1;
	s10 =	sld [smem:$0x3FB1];
	_ =	sdelay $0x3  }
0x34: {  	[smem:$0x3FB1] =	sst s10  }
0x35: {  	s10 =	sld [smem:$0x3FB0];
	_ =	sdelay $0x3  }
0x36: {  	p1 =	seq.s32 s10, $0x1;
	s10 =	sld [smem:$0x3FB1];
	_ =	sdelay $0x3  }
0x37: {  	[smem:$0x3FB1] =	sst s10  }
0x38: {  	s10 =	sld [smem:$0x3FB2]  }
0x39: {  	_ = 	snop;
	(pc) =	sbr.ind lr, $3  }
0x3a: {  	_ = 	snop  }
0x3b: {  	_ = 	snop  }
0x3c: {  	p2 =	seq.s32 s10, $0x1;
	s10 =	sld [smem:$0x3FB1]  }
0x3d: {  	_ =	shalt  }
0x3e: {  	_ =	shalt  }
0x3f: {  	_ =	shalt  }
0x40: {  	_ =	shalt  }
0x41: {  	_ =	shalt  }
0x42: {  	_ =	shalt  }
0x43: {  	_ =	shalt  }
0x44: {  	_ =	shalt  }
0x45: {  	_ =	shalt  }
0x46: {  	_ =	shalt  }
0x47: {  	_ =	shalt  }
0x48: {  	_ =	shalt  }
0x49: {  	_ =	shalt  }
0x4a: {  	_ =	shalt  }
0x4b: {  	_ =	shalt  }
0x4c: {  	_ =	shalt  }
0x4d: {  	_ =	shalt  }
0x4e: {  	_ =	shalt  }
0x4f: {  	_ =	shalt  }
0x50: {  	_ =	shalt  }
0x51: {  	_ =	shalt  }
0x52: {  	_ =	shalt  }
0x53: {  	_ =	shalt  }
0x54: {  	_ =	shalt  }
0x55: {  	_ =	shalt  }
0x56: {  	_ =	shalt  }
0x57: {  	_ =	shalt  }
0x58: {  	_ =	shalt  }
0x59: {  	_ =	shalt  }
0x5a: {  	_ =	shalt  }
0x5b: {  	_ =	shalt  }
0x5c: {  	_ =	shalt  }
0x5d: {  	_ =	shalt  }
0x5e: {  	_ =	shalt  }
0x5f: {  	_ =	shalt  }
0x60: {  	_ =	shalt  }
0x61: {  	_ =	shalt  }
0x62: {  	_ =	shalt  }
0x63: {  	_ =	shalt  }
0x64: {  	_ =	shalt  }
0x65: {  	_ =	shalt  }
0x66: {  	_ =	shalt  }
0x67: {  	_ =	shalt  }
0x68: {  	_ =	shalt  }
0x69: {  	_ =	shalt  }
0x6a: {  	_ =	shalt  }
0x6b: {  	_ =	shalt  }
0x6c: {  	_ =	shalt  }
0x6d: {  	_ =	shalt  }
0x6e: {  	_ =	shalt  }
0x6f: {  	_ =	shalt  }
0x70: {  	_ =	shalt  }
0x71: {  	_ =	shalt  }
0x72: {  	_ =	shalt  }
0x73: {  	_ =	shalt  }
0x74: {  	_ =	shalt  }
0x75: {  	_ =	shalt  }
0x76: {  	_ =	shalt  }
0x77: {  	_ =	shalt  }
0x78: {  	_ =	shalt  }
0x79: {  	_ =	shalt  }
0x7a: {  	_ =	shalt  }
0x7b: {  	_ =	shalt  }
0x7c: {  	_ =	shalt  }
0x7d: {  	_ =	shalt  }
0x7e: {  	_ =	shalt  }
0x7f: {  	_ =	shalt  }
0x80: {  	_ =	shalt  }
0x81: {  	_ =	shalt  }
0x82: {  	_ =	shalt  }
0x83: {  	_ =	shalt  }
0x84: {  	_ =	shalt  }
0x85: {  	_ =	shalt  }
0x86: {  	_ =	shalt  }
0x87: {  	_ =	shalt  }
.Lfunc_end0:
.L_simem_size_0:
called_computation_lowered:
.L_overlay_start_0:
0x88: {  	s2 =	sld [smem:$0x3FD9]  }
0x89: {  	s3 =	sld [smem:$0x3FFE];
	_ =	sdelay $0x1  }
0x8a: {  	s1 =	srdreg.scid  }
0x8b: {  	s0 =	sand.u32 $0x1, s1  }
0x8c: {  	s17 =	sshll.u32 s0, $0xA;
	s2 =	sadd.s32 s3, s2  }
0x8d: {  	s2 =	sadd.s32 s2, s17  }
0x8e: {  	[smem:$0x3FBD] =	sst s2  }
0x8f: {  	_ = 	snop  }
0x90: {  	s2 =	sld [smem:$0x3FC9]  }
0x91: {  	s18 =	sld [smem:$0x3FD0];
	(tm) =	ssettm $0x1  }
0x92: {  	s4 =	sld [smem:$0x3FFB];
	_ =	sdelay $0x3  }
0x93: {  	_ =	strace s4  }
0x94: {  	s4 =	sld [smem:$0x3FFC];
	_ =	sdelay $0x3  }
0x95: {  	_ =	strace s4  }
0x96: {  	s4 =	sld [smem:$0x3FFD];
	_ =	sdelay $0x3  }
0x97: {  	_ =	strace s4  }
0x98: {  	_ =	strace $0x8FFFFFFF  }
0x99: {  	s19 =	sld [smem:$0x3FDB];
	_ =	sdelay $0x1  }
0x9a: {  	s5 =	simm.s32 $_scs_section_size  }
0x9b: {  	s6 =	simm.s32 $_size__tile_overlayer_lowered;
	s7 =	simm.s32 $_tile_overlayer_lowered  }
0x9c: {  	s22 =	simm.s32 $0x1BFF;
	s21 =	sshll.u32 s7, $0x1;
	s4 =	sadd.s32 s5, s19  }
0x9d: {  	s8 =	simm.s32 $0x0;
	s20 =	sshll.u32 s6, $0x1;
	s6 =	sadd.s32 s21, s4  }
0x9e: {  	[timem:s8], [sflag:s22] =	dma.local [hbm:s6], s20  }
0x9f: {  	_ =	swait.ge [sflag:s22], s20  }
0xa0: {  	s5 =	ssub.s32 $0x0, s20;
	[sflag:s22] =	ssyncset.done $0x0  }
0xa1: {  	[sflag:s22] =	ssyncadd.s32 s5;
	_ =	sdelay $0x1  }
0xa2: {  	s23 =	simm.s32 $0x1B8B  }
0xa3: {  	_ =	swait.ge [sflag:s23], $0x1  }
0xa4: {  	[sflag:s23] =	ssyncset.done $0x0  }
0xa5: {  	s25 =	simm.s32 $0x1B8E;
	s24 =	sld [smem:$0x3FFE];
	[sflag:s23] =	ssyncadd.s32 $0xFFFFFFFF  }
0xa6: {  	s26 =	simm.s32 $execute0_lowered;
	[smem:$0x3FD2] =	sst s25  }
0xa7: {  	s6 =	sshll.u32 s26, $0x1;
	_ =	strace $0x80000046;
	[dreg:$0x1] =	wrdreg $0xFFFFFFFF  }
0xa8: {  	s28 =	simm.s32 $_size_execute0_lowered;
	s4 =	sadd.s32 s4, s6;
	[dreg:$0x0] =	wrdreg $0x0  }
0xa9: {  	s6 =	sshll.u32 s28, $0x1;
	[dreg:$0x2] =	wrdreg s4  }
0xaa: {  	[dreg:$0x3] =	wrdreg s6  }
0xab: {  	[dreg:$0x4] =	wrdreg $0xC0  }
0xac: {  	_ =	task [dreg:s8], $0x5FFFF  }
0xad: {  	[dreg:$0x1] =	wrdreg $0xFFFFFFFF  }
0xae: {  	[dreg:$0x0] =	wrdreg $0x60  }
0xaf: {  	[dreg:$0x2] =	wrdreg s2  }
0xb0: {  	[dreg:$0x3] =	wrdreg s24  }
0xb1: {  	[dreg:$0x4] =	wrdreg s18  }
0xb2: {  	[dreg:$0x5] =	wrdreg $0x120000  }
0xb3: {  	[dreg:$0x6] =	wrdreg $0x1FA800  }
0xb4: {  	[dreg:$0x7] =	wrdreg $0x9  }
0xb5: {  	_ =	task.clear_ibuf [dreg:s8], $0x8FFFF;
	_ =	strace $0x90000046  }
0xb6: {  	s29 =	simm.s32 $0x9;
	_ =	strace $0x80000048  }
0xb7: {  	_ =	swait.ge [sflag:s29], $0x1  }
0xb8: {  	[sflag:s29] =	ssyncadd.s32 $0xFFFFFFFF  }
0xb9: {  	_ =	strace $0x90000048  }
0xba: {  	_ =	sfence  }
0xbb: {  	s30 =	sld [smem:$0x0];
	_ =	sdelay $0x2  }
0xbc: {  	s31 =	sshll.u32 s1, $0xD;
	s1 =	sshrl.u32 s1, $0x2  }
0xbd: {  	s3 =	sand.u32 $0x4000, s31;
	s1 =	sadd.s32 s1, s30  }
0xbe: {  	s0 =	sor.u32 s3, s0;
	s1 =	sshll.u32 s1, $0x11  }
0xbf: {  	s0 =	sor.u32 s1, s0  }
0xc0: {  	s0 =	sadd.s32 $0x8F2B, s0  }
0xc1: {  	[sflag:s0] =	ssyncadd.remote.s32 $0x1  }
0xc2: {  	_ =	sfence.sel $0xFFFF  }
0xc3: {  	[dreg:$0x0] =	wrdreg $0xFFFFFFFF;
	(pc) =	sbr.abs _section_cstart, $3  }
0xc4: {  	[dreg:$0x1] =	wrdreg $0xFFFFFFFF  }
0xc5: {  	_ =	task.clear_ibuf [dreg:s8], $0x2FFFF;
	_ =	strace $0x9FFFFFFF  }
0xc6: {  	(tm) =	ssettm $0x7FFFFFFF  }
0xc7: {  	_ =	shalt  }
tec
execute0_lowered:
.L_overlay_start_1:
0x0: {  	(tag) =	ssettag $0x1  }
0x1: {  	s0 =	rddreg [dreg:$0x0]  }
0x2: {  	s6 =	rddreg [dreg:$0x1]  }
0x3: {  	s13 =	rddreg [dreg:$0x2]  }
0x4: {  	s3 =	rddreg [dreg:$0x3]  }
0x5: {  	s1 =	srdreg.scid;
	s4 =	rddreg [dreg:$0x4]  }
0x6: {  	s2 =	rddreg [dreg:$0x5];
	s5 =	simm.s32 $0x0;
	s11 =	sand.u32 $0x1, s1  }
0x7: {  	s18 =	simm.s32 $0x80;
	s1 =	stileid.u32;
	s7 =	smul.u32 $0x50000, s11  }
0x8: {  	s19 =	simm.s32 $0xA000;
	s20 =	simm.s32 $0xE000;
	s8 =	smul.u32 $0x5000, s1  }
0x9: {  	s21 =	simm.s32 $0x1;
	s22 =	simm.s32 $0x1F800;
	s9 =	smul.u32 $0xD800, s1  }
0xa: {  	[smem:$0x7FF] =	sst s5;
	s15 =	sadd.s32 $0x7C600, s6;
	s23 =	smul.u32 $0xD8000, s11  }
0xb: {  	_ =	strace $0x80000047;
	s25 =	ssub.s32 $0x2, s11;
	s12 =	smul.u32 $0x36000, s1  }
0xc: {  	s29 =	smul.u32 $0x1B0, s1;
	s30 =	sshll.u32 s1, $0x6;
	p0 =	seq.s32 s11, $0x1  }
0xd: {  	s26 =	sshrl.u32 s25, $0x1;
	s13 =	smov.u32 @p0 s15;
	s15 =	simm.s32 $0x3  }
0xe: {  	s7 =	sadd.s32 s8, s7;
	s24 =	sshrl.u32 s9, $0x3;
	s8 =	sadd.s32 s9, s23  }
0xf: {  	s16 =	ssub.s32 s25, s26;
	s28 =	sshrl.u32 s12, $0x2;
	s31 =	sshrl.u32 s29, $0x3  }
0x10: {  	s23 =	simm.s32 $0x2;
	s25 =	simm.s32 $0x9F80;
	s26 =	simm.s32 $0x0  }
0x11: {  	s7 =	sshrl.u32 s7, $0x3;
	s8 =	sshrl.u32 s8, $0x3;
	s17 =	sadd.s32 s28, s3  }
0x12: {  	s12 =	smax.u32 s16, $0x1;
	s13 =	sadd.s32 s13, s31;
	s16 =	simm.s32 $0x5000  }
0x13: {  	s10 =	sadd.s32 s7, s6;
	s7 =	sadd.s32 s24, s6;
	s14 =	sadd.s32 s8, s6  }
0x14: {  	s24 =	simm.s32 $0x9F00;
	s6 =	sadd.s32 $0x2B600, s7;
	s7 =	sor.u32 $0x1C03, s30  }
0x15: {  	s8 =	sadd.s32 $0x3600, s10;
	s9 =	sadd.s32 $0x17600, s10;
	s10 =	sadd.s32 s29, s4  }
0x16: {  	v0 =	vimm.f32 $0.0e+00;
	v1 =	vimm.f32 $1.000000000e+00;
	s11 =	sadd.s32 $0x46600, s14;
	s14 =	sshrl.u32 s17, $0x3;
	s17 =	simm.s32 $0x1F880  }
.LBB2_1:
0x17: {  	[spmem:s14], [sflag:s7] =	dma.local [hbm:s6], $0x1B00  }
0x18: {  	_ =	swait.ge [sflag:s15], $0x1B00  }
0x19: {  	[sflag:s15] =	ssyncset.done $0x0  }
0x1a: {  	[sflag:s15] =	ssyncadd.s32 $0xFFFFE500  }
0x1b: {  	[tilespmem:s5], [sflag:$0x3] =	stream.linear.gather [hbm4b:s8+s5], $0x5000, $0x38;
	[tilespmem:$0x1FC30] =	vst v63  }
0x1c: {  	_ =	swait.ge [sflag:s15], $0x5000  }
0x1d: {  	[sflag:s15] =	ssyncset.done $0x0  }
0x1e: {  	[sflag:s15] =	ssyncadd.s32 $0xFFFFB000  }
0x1f: {  	[tilespmem:s16], [sflag:$0x3] =	stream.linear.gather [hbm4b:s9+s5], $0x5000, $0x38;
	[tilespmem:$0x1FC30] =	vst v63  }
0x20: {  	_ =	swait.ge [sflag:s15], $0x5000  }
0x21: {  	[sflag:s15] =	ssyncset.done $0x0  }
0x22: {  	[sflag:s15] =	ssyncadd.s32 $0xFFFFB000  }
0x23: {  	[tilespmem:$0x1F880] =	vst v0  }
0x24: {  	[tilespmem:$0x1F890] =	vst v0  }
0x25: {  	[tilespmem:$0x1F8A0] =	vst v0  }
0x26: {  	[tilespmem:$0x1F8B0] =	vst v0  }
0x27: {  	[tilespmem:$0x1F8C0] =	vst v0  }
0x28: {  	[tilespmem:$0x1F8D0] =	vst v0  }
0x29: {  	[tilespmem:$0x1F8E0] =	vst v0  }
0x2a: {  	[tilespmem:$0x1F8F0] =	vst v0  }
0x2b: {  	[tilespmem:$0x1F900] =	vst v0  }
0x2c: {  	[tilespmem:$0x1F910] =	vst v0  }
0x2d: {  	[tilespmem:$0x1F920] =	vst v0  }
0x2e: {  	[tilespmem:$0x1F930] =	vst v0  }
0x2f: {  	[tilespmem:$0x1F940] =	vst v0  }
0x30: {  	[tilespmem:$0x1F950] =	vst v0  }
0x31: {  	[tilespmem:$0x1F960] =	vst v0  }
0x32: {  	[tilespmem:$0x1F970] =	vst v0  }
0x33: {  	[tilespmem:$0x1F980] =	vst v0  }
0x34: {  	[tilespmem:$0x1F990] =	vst v0  }
0x35: {  	[tilespmem:$0x1F9A0] =	vst v0  }
0x36: {  	[tilespmem:$0x1F9B0] =	vst v0  }
0x37: {  	[tilespmem:$0x1F9C0] =	vst v0  }
0x38: {  	[tilespmem:$0x1F9D0] =	vst v0  }
0x39: {  	[tilespmem:$0x1F9E0] =	vst v0  }
0x3a: {  	[tilespmem:$0x1F9F0] =	vst v0  }
0x3b: {  	[tilespmem:$0x1FA00] =	vst v0  }
0x3c: {  	[tilespmem:$0x1FA10] =	vst v0  }
0x3d: {  	[tilespmem:$0x1FA20] =	vst v0  }
0x3e: {  	[spmem:s10] =	stream.linear.scatter [tilespmem:s17], [sflag:$0x3], $0x1B0, $0x38;
	[tilespmem:$0x1FC30] =	vst v63  }
0x3f: {  	_ =	swait.ge [sflag:s15], $0x1B0  }
0x40: {  	[sflag:s15] =	ssyncset.done $0x0  }
0x41: {  	[sflag:s15] =	ssyncadd.s32 $0xFFFFFE50  }
0x42: {  	[tilespmem:$0x1F800] =	vst v1  }
0x43: {  	[tilespmem:$0x1F810] =	vst v1  }
0x44: {  	[tilespmem:$0x1F820] =	vst v1  }
0x45: {  	[tilespmem:$0x1F830] =	vst v1  }
0x46: {  	[tilespmem:$0x1F840] =	vst v1  }
0x47: {  	[tilespmem:$0x1F850] =	vst v1  }
0x48: {  	[tilespmem:$0x1F860] =	vst v1  }
0x49: {  	[tilespmem:$0x1F870] =	vst v1  }
0x4a: {  	[bflag:$0x0] =	sbarrier.arrive $0xFFFF  }
0x4b: {  	[tilespmem:s19], [sflag:$0x1] =	stream.indirect.gather [hbm4b:s0+s18], $0x80, s5, s18, $0xb8;
	[tilespmem:$0x1FC30] =	vst v63  }
0x4c: {  	_ = 	snop  }
0x4d: {  	[tilespmem:s20], [sflag:$0x2] =	stream.indirect.gather [hbm4b:s0+s18], $0x80, s18, s18, $0xb8;
	[tilespmem:$0x1FC30] =	vst v63  }
0x4e: {  	_ =	swait.ge [sflag:s21], $0x4000  }
0x4f: {  	[sflag:s21] =	ssyncset.done $0x0  }
0x50: {  	s28 =	simm.s32 $0x5000;
	[sflag:s21] =	ssyncadd.s32 $0xFFFFC000  }
0x51: {  	[spmem:s3] =	stream.indirect.scatter.add.f32 [tilespmem:s19], [sflag:$0x3], $0x80, s28, s18, $0xb8;
	[tilespmem:$0x1FC30] =	vst v63  }
0x52: {  	_ =	swait.ge [sflag:s15], $0x4000  }
0x53: {  	[sflag:s15] =	ssyncset.done $0x0  }
0x54: {  	s29 =	simm.s32 $0x100;
	[sflag:s15] =	ssyncadd.s32 $0xFFFFC000  }
0x55: {  	[tilespmem:s19], [sflag:$0x1] =	stream.indirect.gather [hbm4b:s0+s18], $0x80, s29, s18, $0xb8;
	[tilespmem:$0x1FC30] =	vst v63  }
0x56: {  	_ = 	snop  }
0x57: {  	[spmem:s4] =	stream.indirect.scatter.add.f32 [tilespmem:s22], [sflag:$0x3], $0x1, s28, s18, $0xb8;
	[tilespmem:$0x1FC30] =	vst v63  }
0x58: {  	_ =	swait.ge [sflag:s15], $0x80  }
0x59: {  	[sflag:s15] =	ssyncset.done $0x0  }
0x5a: {  	[sflag:s15] =	ssyncadd.s32 $0xFFFFFF80  }
0x5b: {  	_ =	swait.ge [sflag:s23], $0x4000  }
0x5c: {  	[sflag:s23] =	ssyncset.done $0x0  }
0x5d: {  	s28 =	simm.s32 $0x5080;
	[sflag:s23] =	ssyncadd.s32 $0xFFFFC000  }
0x5e: {  	[spmem:s3] =	stream.indirect.scatter.add.f32 [tilespmem:s20], [sflag:$0x3], $0x80, s28, s18, $0xb8;
	[tilespmem:$0x1FC30] =	vst v63  }
0x5f: {  	_ =	swait.ge [sflag:s15], $0x4000  }
0x60: {  	[sflag:s15] =	ssyncset.done $0x0  }
0x61: {  	s31 =	simm.s32 $0x180;
	[sflag:s15] =	ssyncadd.s32 $0xFFFFC000  }
0x62: {  	[tilespmem:s20], [sflag:$0x2] =	stream.indirect.gather [hbm4b:s0+s18], $0x80, s31, s18, $0xb8;
	[tilespmem:$0x1FC30] =	vst v63  }
0x63: {  	_ = 	snop  }
0x64: {  	[spmem:s4] =	stream.indirect.scatter.add.f32 [tilespmem:s22], [sflag:$0x3], $0x1, s28, s18, $0xb8;
	[tilespmem:$0x1FC30] =	vst v63  }
0x65: {  	_ =	swait.ge [sflag:s15], $0x80  }
0x66: {  	s28 =	simm.s32 $0x400;
	[sflag:s15] =	ssyncset.done $0x0  }
.LBB2_2:
0x67: {  	p0 =	sne.s32 s28, $0x13800  }
0x68: {  	[sflag:s15] =	ssyncadd.s32 $0xFFFFFF80;
	s29 =	smov.u32 s28;
	s28 =	sadd.s32 $0x400, s28  }
0x69: {  	_ = 	snop  }
0x6a: {  	_ =	swait.ge [sflag:s21], $0x4000  }
0x6b: {  	s29 =	sshra.s32 s29, $0x2;
	[sflag:s21] =	ssyncset.done $0x0  }
0x6c: {  	s30 =	sadd.s32 $0x5000, s29;
	[sflag:s21] =	ssyncadd.s32 $0xFFFFC000  }
0x6d: {  	[spmem:s3] =	stream.indirect.scatter.add.f32 [tilespmem:s19], [sflag:$0x3], $0x80, s30, s18, $0xb8;
	[tilespmem:$0x1FC30] =	vst v63  }
0x6e: {  	_ =	swait.ge [sflag:s15], $0x4000  }
0x6f: {  	[sflag:s15] =	ssyncset.done $0x0  }
0x70: {  	s31 =	sadd.s32 $0x100, s29;
	[sflag:s15] =	ssyncadd.s32 $0xFFFFC000  }
0x71: {  	[tilespmem:s19], [sflag:$0x1] =	stream.indirect.gather [hbm4b:s0+s18], $0x80, s31, s18, $0xb8;
	[tilespmem:$0x1FC30] =	vst v63  }
0x72: {  	_ = 	snop  }
0x73: {  	[spmem:s4] =	stream.indirect.scatter.add.f32 [tilespmem:s22], [sflag:$0x3], $0x1, s30, s18, $0xb8;
	[tilespmem:$0x1FC30] =	vst v63  }
0x74: {  	_ =	swait.ge [sflag:s15], $0x80  }
0x75: {  	[sflag:s15] =	ssyncset.done $0x0  }
0x76: {  	[sflag:s15] =	ssyncadd.s32 $0xFFFFFF80  }
0x77: {  	_ =	swait.ge [sflag:s23], $0x4000  }
0x78: {  	[sflag:s23] =	ssyncset.done $0x0  }
0x79: {  	s30 =	sadd.s32 $0x5080, s29;
	[sflag:s23] =	ssyncadd.s32 $0xFFFFC000  }
0x7a: {  	[spmem:s3] =	stream.indirect.scatter.add.f32 [tilespmem:s20], [sflag:$0x3], $0x80, s30, s18, $0xb8;
	[tilespmem:$0x1FC30] =	vst v63  }
0x7b: {  	_ =	swait.ge [sflag:s15], $0x4000  }
0x7c: {  	[sflag:s15] =	ssyncset.done $0x0  }
0x7d: {  	s29 =	sadd.s32 $0x180, s29;
	[sflag:s15] =	ssyncadd.s32 $0xFFFFC000  }
0x7e: {  	[tilespmem:s20], [sflag:$0x2] =	stream.indirect.gather [hbm4b:s0+s18], $0x80, s29, s18, $0xb8;
	[tilespmem:$0x1FC30] =	vst v63  }
.Ltmp0:
0x7f: {  	_ = 	snop;
	(pc) =	sbr.rel @p0 .LBB2_2-.Ltmp0, $4  }
0x80: {  	_ = 	snop  }
0x81: {  	[spmem:s4] =	stream.indirect.scatter.add.f32 [tilespmem:s22], [sflag:$0x3], $0x1, s30, s18, $0xb8;
	[tilespmem:$0x1FC30] =	vst v63  }
0x82: {  	_ =	swait.ge [sflag:s15], $0x80  }
0x83: {  	[sflag:s15] =	ssyncset.done $0x0  }
0x84: {  	[sflag:s15] =	ssyncadd.s32 $0xFFFFFF80  }
0x85: {  	_ =	swait.ge [sflag:s21], $0x4000  }
0x86: {  	[sflag:s21] =	ssyncset.done $0x0  }
0x87: {  	[sflag:s21] =	ssyncadd.s32 $0xFFFFC000  }
0x88: {  	[spmem:s3] =	stream.indirect.scatter.add.f32 [tilespmem:s19], [sflag:$0x3], $0x80, s24, s18, $0xb8;
	[tilespmem:$0x1FC30] =	vst v63  }
0x89: {  	_ =	swait.ge [sflag:s15], $0x4000  }
0x8a: {  	[sflag:s15] =	ssyncset.done $0x0  }
0x8b: {  	[sflag:s15] =	ssyncadd.s32 $0xFFFFC000  }
0x8c: {  	[tilespmem:s19], [sflag:$0x1] =	stream.indirect.gather [hbm4b:s0+s18], $0x80, s5, s18, $0xb8;
	[tilespmem:$0x1FC30] =	vst v63  }
0x8d: {  	_ = 	snop  }
0x8e: {  	[spmem:s4] =	stream.indirect.scatter.add.f32 [tilespmem:s22], [sflag:$0x3], $0x1, s24, s18, $0xb8;
	[tilespmem:$0x1FC30] =	vst v63  }
0x8f: {  	_ =	swait.ge [sflag:s15], $0x80  }
0x90: {  	[sflag:s15] =	ssyncset.done $0x0  }
0x91: {  	[sflag:s15] =	ssyncadd.s32 $0xFFFFFF80  }
0x92: {  	_ =	swait.ge [sflag:s23], $0x4000  }
0x93: {  	[sflag:s23] =	ssyncset.done $0x0  }
0x94: {  	[sflag:s23] =	ssyncadd.s32 $0xFFFFC000  }
0x95: {  	[spmem:s3] =	stream.indirect.scatter.add.f32 [tilespmem:s20], [sflag:$0x3], $0x80, s25, s18, $0xb8;
	[tilespmem:$0x1FC30] =	vst v63  }
0x96: {  	_ =	swait.ge [sflag:s15], $0x4000  }
0x97: {  	[sflag:s15] =	ssyncset.done $0x0  }
0x98: {  	[sflag:s15] =	ssyncadd.s32 $0xFFFFC000  }
0x99: {  	[tilespmem:s20], [sflag:$0x2] =	stream.indirect.gather [hbm4b:s0+s18], $0x80, s18, s18, $0xb8;
	[tilespmem:$0x1FC30] =	vst v63  }
0x9a: {  	_ = 	snop  }
0x9b: {  	[spmem:s4] =	stream.indirect.scatter.add.f32 [tilespmem:s22], [sflag:$0x3], $0x1, s25, s18, $0xb8;
	[tilespmem:$0x1FC30] =	vst v63  }
0x9c: {  	_ =	swait.ge [sflag:s15], $0x80  }
0x9d: {  	[sflag:s15] =	ssyncset.done $0x0  }
0x9e: {  	[sflag:s15] =	ssyncadd.s32 $0xFFFFFF80  }
0x9f: {  	_ =	swait.ge [sflag:s21], $0x4000  }
0xa0: {  	[sflag:s21] =	ssyncset.done $0x0  }
0xa1: {  	[sflag:s21] =	ssyncadd.s32 $0xFFFFC000  }
0xa2: {  	_ =	swait.ge [sflag:s23], $0x4000  }
0xa3: {  	[sflag:s23] =	ssyncset.done $0x0  }
0xa4: {  	[sflag:s23] =	ssyncadd.s32 $0xFFFFC000  }
0xa5: {  	[bflag:$0x0] =	sbarrier.arrive $0xFFFF  }
0xa6: {  	[hbm:s11], [sflag:s7] =	dma.local [spmem:s14], $0x1B00  }
0xa7: {  	_ =	swait.ge [sflag:s15], $0x1B00  }
0xa8: {  	[sflag:s15] =	ssyncset.done $0x0  }
0xa9: {  	[sflag:s15] =	ssyncadd.s32 $0xFFFFE500  }
0xaa: {  	[tilespmem:s17], [sflag:$0x3] =	stream.linear.gather [spmem:s10], $0x1B0, $0x38;
	[tilespmem:$0x1FC30] =	vst v63  }
0xab: {  	s26 =	sadd.s32 $0x1, s26;
	_ =	swait.ge [sflag:s15], $0x1B0  }
0xac: {  	p0 =	sne.s32 s26, s12;
	[sflag:s15] =	ssyncset.done $0x0  }
.Ltmp1:
0xad: {  	[sflag:s15] =	ssyncadd.s32 $0xFFFFFE50;
	(pc) =	sbr.rel @p0 .LBB2_1-.Ltmp1, $4  }
0xae: {  	[hbm4b:s13+s5] =	stream.linear.scatter [tilespmem:s17], [sflag:$0x3], $0x1B0, $0x38;
	[tilespmem:$0x1FC30] =	vst v63  }
0xaf: {  	_ =	swait.ge [sflag:s15], $0x1B0  }
0xb0: {  	[sflag:s15] =	ssyncset.done $0x0  }
0xb1: {  	[sflag:s15] =	ssyncadd.s32 $0xFFFFFE50  }
0xb2: {  	_ =	sfence.sel $0x180000  }
0xb3: {  	[bflag:$0x0] =	sbarrier.arrive $0xFFFF  }
0xb4: {  	p0 =	sne.s32 s1, $0x0;
	_ =	strace $0x90000047  }
0xb5: {  	s0 =	sadd.s32 @!p0 $0x100000, s2;
	[bflag:$0x2] =	sbarrier.arrive $0xFFFF  }
0xb6: {  	[sflag:s0] =	ssyncadd.tile.s32 @!p0 $0x1;
	_ =	shalt  }
.Lfunc_end2:
_tile_overlayer_lowered:
.L_overlay_start_2:
0xb7: {  	(tag) =	ssettag $0x2  }
0xb8: {  	s0 =	rddreg [dreg:$0x0];
	s2 =	stileid.u32  }
0xb9: {  	s1 =	rddreg [dreg:$0x1];
	p0 =	sne.s32 s2, $0x0  }
0xba: {  	s3 =	rddreg [dreg:$0x2];
	[bflag:$0x3] =	sbarrier.arrive $0xFFFF;
	s2 =	simm.s32 @!p0 $0x1C03  }
0xbb: {  	[timem:s3], [sflag:s2] =	dma.local @!p0 [hbm:s0], s1  }
0xbc: {  	s0 =	simm.s32 @!p0 $0x3  }
0xbd: {  	_ =	swait.ge @!p0 [sflag:s0], s1  }
0xbe: {  	s1 =	ssub.s32 @!p0 $0x0, s1;
	[sflag:s0] =	ssyncset.done @!p0 $0x0  }
0xbf: {  	[sflag:s0] =	ssyncadd.s32 @!p0 s1  }
0xc0: {  	[bflag:$0x3] =	sbarrier.arrive $0xFFFF  }
0xc1: {  	_ =	shalt  }

</sc_bundles>
